<compile_context>
chip_gen: v7x
topology: tpu7x:2x2x1
jax: 0.10.2.dev20260603
libtpu: 0.0.44.dev20260713+nightly
codegen_flags: <defaults>
</compile_context>

<pallas_src>
import functools

import jax
import jax.numpy as jnp
import numpy as np
from jax import lax
from jax.experimental import pallas as pl
from jax.experimental.pallas import tpu as pltpu
from jax.experimental.pallas import tpu_sc as plsc

_B, _N, _D = 64, 576, 768
_KEEP = 288
_NW = 32
_ROWS_PER_W = (_B * _KEEP) // _NW
_CHUNK = 72
_NCHUNK = _ROWS_PER_W // _CHUNK


def _keep_row_indices():
    noise_key = jax.random.fold_in(jax.random.key(0), 1)
    noise = jax.random.normal(noise_key, (_B, _N), dtype=jnp.float32)
    _, keep = jax.lax.top_k(noise, _KEEP)
    gidx = keep.astype(jnp.int32) + (
        jnp.arange(_B, dtype=jnp.int32) * _N)[:, None]
    return gidx.reshape(_NW, _NCHUNK, _CHUNK)


@functools.partial(
    pl.kernel,
    mesh=plsc.VectorSubcoreMesh(core_axis_name="c", subcore_axis_name="s"),
    out_type=jax.ShapeDtypeStruct((_B * _KEEP, _D), jnp.float32),
    scratch_types=[
        pltpu.VMEM((_NCHUNK, _CHUNK), jnp.int32),
        pltpu.VMEM((_CHUNK, _D), jnp.float32),
        pltpu.VMEM((_CHUNK, _D), jnp.float32),
        pltpu.SemaphoreType.DMA,
        pltpu.SemaphoreType.DMA,
        pltpu.SemaphoreType.DMA,
        pltpu.SemaphoreType.DMA,
    ],
)
def _sc_gather(x_hbm, idx_hbm, out_hbm, idx_v, buf0, buf1,
               gsem0, gsem1, osem0, osem1):
    wid = lax.axis_index("s") * 2 + lax.axis_index("c")
    base = wid * _ROWS_PER_W
    bufs = (buf0, buf1)
    gsems = (gsem0, gsem1)
    osems = (osem0, osem1)

    pltpu.sync_copy(idx_hbm.at[wid], idx_v)

    gathers = [None] * _NCHUNK
    outs = [None] * _NCHUNK
    gathers[0] = pltpu.async_copy(x_hbm.at[idx_v.at[0]], bufs[0], gsems[0])
    for c in range(_NCHUNK):
        p = c & 1
        gathers[c].wait()
        if c + 1 < _NCHUNK:
            np_ = (c + 1) & 1
            if c - 1 >= 0:
                outs[c - 1].wait()
            gathers[c + 1] = pltpu.async_copy(
                x_hbm.at[idx_v.at[c + 1]], bufs[np_], gsems[np_])
        outs[c] = pltpu.async_copy(
            bufs[p], out_hbm.at[pl.ds(base + c * _CHUNK, _CHUNK)], osems[p])
    outs[_NCHUNK - 2].wait()
    outs[_NCHUNK - 1].wait()


def kernel(x):
    b, n, d = x.shape
    gidx = _keep_row_indices()
    out = _sc_gather(x.reshape(b * n, d), gidx)
    return out.reshape(_B, _KEEP, _D)

# --- scband reference (transcript-rebuilt; emitter-appended) ---
"""Pipeline reference for scband-patch-dropout-47287589929133 (READ-ONLY COPY).

The authoritative reference and input builder live on the scoring server;
editing this copy changes nothing except your own understanding.
"""

import jax, jax.numpy as jnp
import numpy as np

PROB = 0.5

def setup_inputs(seed: int = 0) -> dict:
    key = jax.random.key(seed)
    x = jax.random.normal(key, (64, 576, 768), dtype=jnp.float32)
    return {"x": x}

def reference(x):
    # PatchDropout in training mode with prob=0.5.
    b, n, d = x.shape
    num_patches_keep = max(1, int(n * (1.0 - PROB)))
    # torch.randn(b, n) -> deterministic jax equivalent with a fixed key
    noise_key = jax.random.fold_in(jax.random.key(0), 1)
    noise = jax.random.normal(noise_key, (b, n), dtype=jnp.float32)
    # topk indices along patch dim
    _, patch_indices_keep = jax.lax.top_k(noise, num_patches_keep)  # [b, num_keep]
    # x[batch_indices, patch_indices_keep] -> gather along axis 1
    out = jnp.take_along_axis(x, patch_indices_keep[:, :, None], axis=1)  # [b, num_keep, d]
    return out

if __name__ == "__main__":
    import jax
    _d = setup_inputs()
    print(jax.jit(kernel)(*tuple(_d.values())))

</pallas_src>

<mosaic_0001>
#map = affine_map<(d0, d1) -> (0, 0)>
#map1 = affine_map<(d0, d1) -> (0, 0, 0)>
module attributes {stable_mosaic.version = 14 : i64} {
  func.func @_sc_gather(%arg0: i32, %arg1: i32, %arg2: memref<36864x768xf32, #tpu.memory_space<hbm>>, %arg3: memref<32x8x72xi32, #tpu.memory_space<hbm>>, %arg4: memref<18432x768xf32, #tpu.memory_space<hbm>>, %arg5: memref<8x72xi32, #tpu.memory_space<vmem>>, %arg6: memref<72x768xf32, #tpu.memory_space<vmem>>, %arg7: memref<72x768xf32, #tpu.memory_space<vmem>>, %arg8: memref<!tpu.dma_semaphore, #tpu.memory_space<semaphore_mem>>, %arg9: memref<!tpu.dma_semaphore, #tpu.memory_space<semaphore_mem>>, %arg10: memref<!tpu.dma_semaphore, #tpu.memory_space<semaphore_mem>>, %arg11: memref<!tpu.dma_semaphore, #tpu.memory_space<semaphore_mem>>) attributes {dimension_semantics = [#tpu.dimension_semantics<core_parallel>, #tpu.dimension_semantics<subcore_parallel>], iteration_bounds = array<i64: 2, 16>, scalar_prefetch = 0 : i64, scratch_operands = 7 : i64, tpu.core_type = #tpu.core_type<sc_vector_subcore>, window_params = [{transform_indices = #map}, {transform_indices = #map1}, {transform_indices = #map}]} {
    %mul3A = arith.constant 2 : i32
    %mul3A_0 = arith.muli %arg1, %mul3A : i32
    %add3A = arith.addi %mul3A_0, %arg0 : i32
    %mul3A_1 = arith.constant 576 : i32
    %mul3A_2 = arith.muli %add3A, %mul3A_1 : i32
    "tpu.region"() ({
      %run_scoped3A = tpu.sem_alloc : memref<!tpu.dma_semaphore, #tpu.memory_space<semaphore_mem>>
      %dma_start3A_193 = arith.constant 0 : i32
      %dma_start3A_194 = arith.constant 0 : i32
      %dma_start3A_195 = tpu.memref_slice %arg3[%add3A, %dma_start3A_193, %dma_start3A_194] : memref<32x8x72xi32, #tpu.memory_space<hbm>> -> memref<1x8x72xi32, #tpu.memory_space<hbm>>
      %dma_start3A_196 = tpu.memref_squeeze %dma_start3A_195 : memref<1x8x72xi32, #tpu.memory_space<hbm>> -> memref<8x72xi32, #tpu.memory_space<hbm>>
      %dma_start3A_197 = arith.constant 0 : i32
      %dma_start3A_198 = arith.constant 0 : i32
      %dma_start3A_199 = tpu.memref_slice %arg3[%add3A, %dma_start3A_197, %dma_start3A_198] : memref<32x8x72xi32, #tpu.memory_space<hbm>> -> memref<1x8x72xi32, #tpu.memory_space<hbm>>
      %dma_start3A_200 = tpu.memref_squeeze %dma_start3A_199 : memref<1x8x72xi32, #tpu.memory_space<hbm>> -> memref<8x72xi32, #tpu.memory_space<hbm>>
      tpu.enqueue_dma source(%dma_start3A_200 : memref<8x72xi32, #tpu.memory_space<hbm>>) target(%arg5 : memref<8x72xi32, #tpu.memory_space<vmem>>) target_semaphore(%run_scoped3A : memref<!tpu.dma_semaphore, #tpu.memory_space<semaphore_mem>>)
      %dma_wait3A_201 = arith.constant 0 : i32
      %dma_wait3A_202 = arith.constant 0 : i32
      %dma_wait3A_203 = tpu.memref_slice %arg3[%add3A, %dma_wait3A_201, %dma_wait3A_202] : memref<32x8x72xi32, #tpu.memory_space<hbm>> -> memref<1x8x72xi32, #tpu.memory_space<hbm>>
      %dma_wait3A_204 = tpu.memref_squeeze %dma_wait3A_203 : memref<1x8x72xi32, #tpu.memory_space<hbm>> -> memref<8x72xi32, #tpu.memory_space<hbm>>
      %dma_wait3A_205 = arith.constant 0 : i32
      %dma_wait3A_206 = arith.constant 0 : i32
      %dma_wait3A_207 = tpu.memref_slice %arg3[%add3A, %dma_wait3A_205, %dma_wait3A_206] : memref<32x8x72xi32, #tpu.memory_space<hbm>> -> memref<1x8x72xi32, #tpu.memory_space<hbm>>
      %dma_wait3A_208 = tpu.memref_squeeze %dma_wait3A_207 : memref<1x8x72xi32, #tpu.memory_space<hbm>> -> memref<8x72xi32, #tpu.memory_space<hbm>>
      tpu.wait_dma2 semaphore(%run_scoped3A : memref<!tpu.dma_semaphore, #tpu.memory_space<semaphore_mem>>) src(%dma_wait3A_208 : memref<8x72xi32, #tpu.memory_space<hbm>>) dst(%arg5 : memref<8x72xi32, #tpu.memory_space<vmem>>)
      tpu.yield
    }) : () -> ()
    %dma_start3A = arith.constant 0 : i32
    %dma_start3A_3 = arith.constant 0 : i32
    %dma_start3A_4 = tpu.memref_slice %arg5[%dma_start3A, %dma_start3A_3] : memref<8x72xi32, #tpu.memory_space<vmem>> -> memref<1x72xi32, #tpu.memory_space<vmem>>
    %dma_start3A_5 = tpu.memref_squeeze %dma_start3A_4 : memref<1x72xi32, #tpu.memory_space<vmem>> -> memref<72xi32, #tpu.memory_space<vmem>>
    %dma_start3A_6 = arith.constant 0 : i32
    %dma_start3A_7 = arith.constant 0 : i32
    %dma_start3A_8 = tpu.memref_slice %arg2[%dma_start3A_6, %dma_start3A_7] : memref<36864x768xf32, #tpu.memory_space<hbm>> -> memref<36864x768xf32, #tpu.memory_space<hbm>>
    tpu.enqueue_indirect_dma source(%dma_start3A_8 : memref<36864x768xf32, #tpu.memory_space<hbm>>) target(%arg6 : memref<72x768xf32, #tpu.memory_space<vmem>>) offsets(%dma_start3A_5 : memref<72xi32, #tpu.memory_space<vmem>>) semaphore(%arg8 : memref<!tpu.dma_semaphore, #tpu.memory_space<semaphore_mem>>)
    %dma_wait3A = arith.constant 0 : i32
    %dma_wait3A_9 = arith.constant 0 : i32
    %dma_wait3A_10 = tpu.memref_slice %arg5[%dma_wait3A, %dma_wait3A_9] : memref<8x72xi32, #tpu.memory_space<vmem>> -> memref<1x72xi32, #tpu.memory_space<vmem>>
    %dma_wait3A_11 = tpu.memref_squeeze %dma_wait3A_10 : memref<1x72xi32, #tpu.memory_space<vmem>> -> memref<72xi32, #tpu.memory_space<vmem>>
    %dma_wait3A_12 = arith.constant 0 : i32
    %dma_wait3A_13 = arith.constant 0 : i32
    %dma_wait3A_14 = tpu.memref_slice %arg2[%dma_wait3A_12, %dma_wait3A_13] : memref<36864x768xf32, #tpu.memory_space<hbm>> -> memref<36864x768xf32, #tpu.memory_space<hbm>>
    tpu.wait_indirect_dma semaphore(%arg8 : memref<!tpu.dma_semaphore, #tpu.memory_space<semaphore_mem>>) src(%dma_wait3A_14 : memref<36864x768xf32, #tpu.memory_space<hbm>>) dst(%arg6 : memref<72x768xf32, #tpu.memory_space<vmem>>)
    %dma_start3A_15 = arith.constant 1 : i32
    %dma_start3A_16 = arith.constant 0 : i32
    %dma_start3A_17 = tpu.memref_slice %arg5[%dma_start3A_15, %dma_start3A_16] : memref<8x72xi32, #tpu.memory_space<vmem>> -> memref<1x72xi32, #tpu.memory_space<vmem>>
    %dma_start3A_18 = tpu.memref_squeeze %dma_start3A_17 : memref<1x72xi32, #tpu.memory_space<vmem>> -> memref<72xi32, #tpu.memory_space<vmem>>
    %dma_start3A_19 = arith.constant 0 : i32
    %dma_start3A_20 = arith.constant 0 : i32
    %dma_start3A_21 = tpu.memref_slice %arg2[%dma_start3A_19, %dma_start3A_20] : memref<36864x768xf32, #tpu.memory_space<hbm>> -> memref<36864x768xf32, #tpu.memory_space<hbm>>
    tpu.enqueue_indirect_dma source(%dma_start3A_21 : memref<36864x768xf32, #tpu.memory_space<hbm>>) target(%arg7 : memref<72x768xf32, #tpu.memory_space<vmem>>) offsets(%dma_start3A_18 : memref<72xi32, #tpu.memory_space<vmem>>) semaphore(%arg9 : memref<!tpu.dma_semaphore, #tpu.memory_space<semaphore_mem>>)
    %add3A_22 = arith.constant 0 : i32
    %add3A_23 = arith.addi %mul3A_2, %add3A_22 : i32
    %dma_start3A_24 = arith.constant 0 : i32
    %dma_start3A_25 = tpu.memref_slice %arg4[%add3A_23, %dma_start3A_24] : memref<18432x768xf32, #tpu.memory_space<hbm>> -> memref<72x768xf32, #tpu.memory_space<hbm>>
    %dma_start3A_26 = arith.constant 0 : i32
    %dma_start3A_27 = tpu.memref_slice %arg4[%add3A_23, %dma_start3A_26] : memref<18432x768xf32, #tpu.memory_space<hbm>> -> memref<72x768xf32, #tpu.memory_space<hbm>>
    tpu.enqueue_dma source(%arg6 : memref<72x768xf32, #tpu.memory_space<vmem>>) target(%dma_start3A_27 : memref<72x768xf32, #tpu.memory_space<hbm>>) target_semaphore(%arg10 : memref<!tpu.dma_semaphore, #tpu.memory_space<semaphore_mem>>)
    %dma_wait3A_28 = arith.constant 1 : i32
    %dma_wait3A_29 = arith.constant 0 : i32
    %dma_wait3A_30 = tpu.memref_slice %arg5[%dma_wait3A_28, %dma_wait3A_29] : memref<8x72xi32, #tpu.memory_space<vmem>> -> memref<1x72xi32, #tpu.memory_space<vmem>>
    %dma_wait3A_31 = tpu.memref_squeeze %dma_wait3A_30 : memref<1x72xi32, #tpu.memory_space<vmem>> -> memref<72xi32, #tpu.memory_space<vmem>>
    %dma_wait3A_32 = arith.constant 0 : i32
    %dma_wait3A_33 = arith.constant 0 : i32
    %dma_wait3A_34 = tpu.memref_slice %arg2[%dma_wait3A_32, %dma_wait3A_33] : memref<36864x768xf32, #tpu.memory_space<hbm>> -> memref<36864x768xf32, #tpu.memory_space<hbm>>
    tpu.wait_indirect_dma semaphore(%arg9 : memref<!tpu.dma_semaphore, #tpu.memory_space<semaphore_mem>>) src(%dma_wait3A_34 : memref<36864x768xf32, #tpu.memory_space<hbm>>) dst(%arg7 : memref<72x768xf32, #tpu.memory_space<vmem>>)
    %dma_wait3A_35 = arith.constant 0 : i32
    %dma_wait3A_36 = tpu.memref_slice %arg4[%add3A_23, %dma_wait3A_35] : memref<18432x768xf32, #tpu.memory_space<hbm>> -> memref<72x768xf32, #tpu.memory_space<hbm>>
    %dma_wait3A_37 = arith.constant 0 : i32
    %dma_wait3A_38 = tpu.memref_slice %arg4[%add3A_23, %dma_wait3A_37] : memref<18432x768xf32, #tpu.memory_space<hbm>> -> memref<72x768xf32, #tpu.memory_space<hbm>>
    tpu.wait_dma2 semaphore(%arg10 : memref<!tpu.dma_semaphore, #tpu.memory_space<semaphore_mem>>) src(%arg6 : memref<72x768xf32, #tpu.memory_space<vmem>>) dst(%dma_wait3A_38 : memref<72x768xf32, #tpu.memory_space<hbm>>)
    %dma_start3A_39 = arith.constant 2 : i32
    %dma_start3A_40 = arith.constant 0 : i32
    %dma_start3A_41 = tpu.memref_slice %arg5[%dma_start3A_39, %dma_start3A_40] : memref<8x72xi32, #tpu.memory_space<vmem>> -> memref<1x72xi32, #tpu.memory_space<vmem>>
    %dma_start3A_42 = tpu.memref_squeeze %dma_start3A_41 : memref<1x72xi32, #tpu.memory_space<vmem>> -> memref<72xi32, #tpu.memory_space<vmem>>
    %dma_start3A_43 = arith.constant 0 : i32
    %dma_start3A_44 = arith.constant 0 : i32
    %dma_start3A_45 = tpu.memref_slice %arg2[%dma_start3A_43, %dma_start3A_44] : memref<36864x768xf32, #tpu.memory_space<hbm>> -> memref<36864x768xf32, #tpu.memory_space<hbm>>
    tpu.enqueue_indirect_dma source(%dma_start3A_45 : memref<36864x768xf32, #tpu.memory_space<hbm>>) target(%arg6 : memref<72x768xf32, #tpu.memory_space<vmem>>) offsets(%dma_start3A_42 : memref<72xi32, #tpu.memory_space<vmem>>) semaphore(%arg8 : memref<!tpu.dma_semaphore, #tpu.memory_space<semaphore_mem>>)
    %add3A_46 = arith.constant 72 : i32
    %add3A_47 = arith.addi %mul3A_2, %add3A_46 : i32
    %dma_start3A_48 = arith.constant 0 : i32
    %dma_start3A_49 = tpu.memref_slice %arg4[%add3A_47, %dma_start3A_48] : memref<18432x768xf32, #tpu.memory_space<hbm>> -> memref<72x768xf32, #tpu.memory_space<hbm>>
    %dma_start3A_50 = arith.constant 0 : i32
    %dma_start3A_51 = tpu.memref_slice %arg4[%add3A_47, %dma_start3A_50] : memref<18432x768xf32, #tpu.memory_space<hbm>> -> memref<72x768xf32, #tpu.memory_space<hbm>>
    tpu.enqueue_dma source(%arg7 : memref<72x768xf32, #tpu.memory_space<vmem>>) target(%dma_start3A_51 : memref<72x768xf32, #tpu.memory_space<hbm>>) target_semaphore(%arg11 : memref<!tpu.dma_semaphore, #tpu.memory_space<semaphore_mem>>)
    %dma_wait3A_52 = arith.constant 2 : i32
    %dma_wait3A_53 = arith.constant 0 : i32
    %dma_wait3A_54 = tpu.memref_slice %arg5[%dma_wait3A_52, %dma_wait3A_53] : memref<8x72xi32, #tpu.memory_space<vmem>> -> memref<1x72xi32, #tpu.memory_space<vmem>>
    %dma_wait3A_55 = tpu.memref_squeeze %dma_wait3A_54 : memref<1x72xi32, #tpu.memory_space<vmem>> -> memref<72xi32, #tpu.memory_space<vmem>>
    %dma_wait3A_56 = arith.constant 0 : i32
    %dma_wait3A_57 = arith.constant 0 : i32
    %dma_wait3A_58 = tpu.memref_slice %arg2[%dma_wait3A_56, %dma_wait3A_57] : memref<36864x768xf32, #tpu.memory_space<hbm>> -> memref<36864x768xf32, #tpu.memory_space<hbm>>
    tpu.wait_indirect_dma semaphore(%arg8 : memref<!tpu.dma_semaphore, #tpu.memory_space<semaphore_mem>>) src(%dma_wait3A_58 : memref<36864x768xf32, #tpu.memory_space<hbm>>) dst(%arg6 : memref<72x768xf32, #tpu.memory_space<vmem>>)
    %dma_wait3A_59 = arith.constant 0 : i32
    %dma_wait3A_60 = tpu.memref_slice %arg4[%add3A_47, %dma_wait3A_59] : memref<18432x768xf32, #tpu.memory_space<hbm>> -> memref<72x768xf32, #tpu.memory_space<hbm>>
    %dma_wait3A_61 = arith.constant 0 : i32
    %dma_wait3A_62 = tpu.memref_slice %arg4[%add3A_47, %dma_wait3A_61] : memref<18432x768xf32, #tpu.memory_space<hbm>> -> memref<72x768xf32, #tpu.memory_space<hbm>>
    tpu.wait_dma2 semaphore(%arg11 : memref<!tpu.dma_semaphore, #tpu.memory_space<semaphore_mem>>) src(%arg7 : memref<72x768xf32, #tpu.memory_space<vmem>>) dst(%dma_wait3A_62 : memref<72x768xf32, #tpu.memory_space<hbm>>)
    %dma_start3A_63 = arith.constant 3 : i32
    %dma_start3A_64 = arith.constant 0 : i32
    %dma_start3A_65 = tpu.memref_slice %arg5[%dma_start3A_63, %dma_start3A_64] : memref<8x72xi32, #tpu.memory_space<vmem>> -> memref<1x72xi32, #tpu.memory_space<vmem>>
    %dma_start3A_66 = tpu.memref_squeeze %dma_start3A_65 : memref<1x72xi32, #tpu.memory_space<vmem>> -> memref<72xi32, #tpu.memory_space<vmem>>
    %dma_start3A_67 = arith.constant 0 : i32
    %dma_start3A_68 = arith.constant 0 : i32
    %dma_start3A_69 = tpu.memref_slice %arg2[%dma_start3A_67, %dma_start3A_68] : memref<36864x768xf32, #tpu.memory_space<hbm>> -> memref<36864x768xf32, #tpu.memory_space<hbm>>
    tpu.enqueue_indirect_dma source(%dma_start3A_69 : memref<36864x768xf32, #tpu.memory_space<hbm>>) target(%arg7 : memref<72x768xf32, #tpu.memory_space<vmem>>) offsets(%dma_start3A_66 : memref<72xi32, #tpu.memory_space<vmem>>) semaphore(%arg9 : memref<!tpu.dma_semaphore, #tpu.memory_space<semaphore_mem>>)
    %add3A_70 = arith.constant 144 : i32
    %add3A_71 = arith.addi %mul3A_2, %add3A_70 : i32
    %dma_start3A_72 = arith.constant 0 : i32
    %dma_start3A_73 = tpu.memref_slice %arg4[%add3A_71, %dma_start3A_72] : memref<18432x768xf32, #tpu.memory_space<hbm>> -> memref<72x768xf32, #tpu.memory_space<hbm>>
    %dma_start3A_74 = arith.constant 0 : i32
    %dma_start3A_75 = tpu.memref_slice %arg4[%add3A_71, %dma_start3A_74] : memref<18432x768xf32, #tpu.memory_space<hbm>> -> memref<72x768xf32, #tpu.memory_space<hbm>>
    tpu.enqueue_dma source(%arg6 : memref<72x768xf32, #tpu.memory_space<vmem>>) target(%dma_start3A_75 : memref<72x768xf32, #tpu.memory_space<hbm>>) target_semaphore(%arg10 : memref<!tpu.dma_semaphore, #tpu.memory_space<semaphore_mem>>)
    %dma_wait3A_76 = arith.constant 3 : i32
    %dma_wait3A_77 = arith.constant 0 : i32
    %dma_wait3A_78 = tpu.memref_slice %arg5[%dma_wait3A_76, %dma_wait3A_77] : memref<8x72xi32, #tpu.memory_space<vmem>> -> memref<1x72xi32, #tpu.memory_space<vmem>>
    %dma_wait3A_79 = tpu.memref_squeeze %dma_wait3A_78 : memref<1x72xi32, #tpu.memory_space<vmem>> -> memref<72xi32, #tpu.memory_space<vmem>>
    %dma_wait3A_80 = arith.constant 0 : i32
    %dma_wait3A_81 = arith.constant 0 : i32
    %dma_wait3A_82 = tpu.memref_slice %arg2[%dma_wait3A_80, %dma_wait3A_81] : memref<36864x768xf32, #tpu.memory_space<hbm>> -> memref<36864x768xf32, #tpu.memory_space<hbm>>
    tpu.wait_indirect_dma semaphore(%arg9 : memref<!tpu.dma_semaphore, #tpu.memory_space<semaphore_mem>>) src(%dma_wait3A_82 : memref<36864x768xf32, #tpu.memory_space<hbm>>) dst(%arg7 : memref<72x768xf32, #tpu.memory_space<vmem>>)
    %dma_wait3A_83 = arith.constant 0 : i32
    %dma_wait3A_84 = tpu.memref_slice %arg4[%add3A_71, %dma_wait3A_83] : memref<18432x768xf32, #tpu.memory_space<hbm>> -> memref<72x768xf32, #tpu.memory_space<hbm>>
    %dma_wait3A_85 = arith.constant 0 : i32
    %dma_wait3A_86 = tpu.memref_slice %arg4[%add3A_71, %dma_wait3A_85] : memref<18432x768xf32, #tpu.memory_space<hbm>> -> memref<72x768xf32, #tpu.memory_space<hbm>>
    tpu.wait_dma2 semaphore(%arg10 : memref<!tpu.dma_semaphore, #tpu.memory_space<semaphore_mem>>) src(%arg6 : memref<72x768xf32, #tpu.memory_space<vmem>>) dst(%dma_wait3A_86 : memref<72x768xf32, #tpu.memory_space<hbm>>)
    %dma_start3A_87 = arith.constant 4 : i32
    %dma_start3A_88 = arith.constant 0 : i32
    %dma_start3A_89 = tpu.memref_slice %arg5[%dma_start3A_87, %dma_start3A_88] : memref<8x72xi32, #tpu.memory_space<vmem>> -> memref<1x72xi32, #tpu.memory_space<vmem>>
    %dma_start3A_90 = tpu.memref_squeeze %dma_start3A_89 : memref<1x72xi32, #tpu.memory_space<vmem>> -> memref<72xi32, #tpu.memory_space<vmem>>
    %dma_start3A_91 = arith.constant 0 : i32
    %dma_start3A_92 = arith.constant 0 : i32
    %dma_start3A_93 = tpu.memref_slice %arg2[%dma_start3A_91, %dma_start3A_92] : memref<36864x768xf32, #tpu.memory_space<hbm>> -> memref<36864x768xf32, #tpu.memory_space<hbm>>
    tpu.enqueue_indirect_dma source(%dma_start3A_93 : memref<36864x768xf32, #tpu.memory_space<hbm>>) target(%arg6 : memref<72x768xf32, #tpu.memory_space<vmem>>) offsets(%dma_start3A_90 : memref<72xi32, #tpu.memory_space<vmem>>) semaphore(%arg8 : memref<!tpu.dma_semaphore, #tpu.memory_space<semaphore_mem>>)
    %add3A_94 = arith.constant 216 : i32
    %add3A_95 = arith.addi %mul3A_2, %add3A_94 : i32
    %dma_start3A_96 = arith.constant 0 : i32
    %dma_start3A_97 = tpu.memref_slice %arg4[%add3A_95, %dma_start3A_96] : memref<18432x768xf32, #tpu.memory_space<hbm>> -> memref<72x768xf32, #tpu.memory_space<hbm>>
    %dma_start3A_98 = arith.constant 0 : i32
    %dma_start3A_99 = tpu.memref_slice %arg4[%add3A_95, %dma_start3A_98] : memref<18432x768xf32, #tpu.memory_space<hbm>> -> memref<72x768xf32, #tpu.memory_space<hbm>>
    tpu.enqueue_dma source(%arg7 : memref<72x768xf32, #tpu.memory_space<vmem>>) target(%dma_start3A_99 : memref<72x768xf32, #tpu.memory_space<hbm>>) target_semaphore(%arg11 : memref<!tpu.dma_semaphore, #tpu.memory_space<semaphore_mem>>)
    %dma_wait3A_100 = arith.constant 4 : i32
    %dma_wait3A_101 = arith.constant 0 : i32
    %dma_wait3A_102 = tpu.memref_slice %arg5[%dma_wait3A_100, %dma_wait3A_101] : memref<8x72xi32, #tpu.memory_space<vmem>> -> memref<1x72xi32, #tpu.memory_space<vmem>>
    %dma_wait3A_103 = tpu.memref_squeeze %dma_wait3A_102 : memref<1x72xi32, #tpu.memory_space<vmem>> -> memref<72xi32, #tpu.memory_space<vmem>>
    %dma_wait3A_104 = arith.constant 0 : i32
    %dma_wait3A_105 = arith.constant 0 : i32
    %dma_wait3A_106 = tpu.memref_slice %arg2[%dma_wait3A_104, %dma_wait3A_105] : memref<36864x768xf32, #tpu.memory_space<hbm>> -> memref<36864x768xf32, #tpu.memory_space<hbm>>
    tpu.wait_indirect_dma semaphore(%arg8 : memref<!tpu.dma_semaphore, #tpu.memory_space<semaphore_mem>>) src(%dma_wait3A_106 : memref<36864x768xf32, #tpu.memory_space<hbm>>) dst(%arg6 : memref<72x768xf32, #tpu.memory_space<vmem>>)
    %dma_wait3A_107 = arith.constant 0 : i32
    %dma_wait3A_108 = tpu.memref_slice %arg4[%add3A_95, %dma_wait3A_107] : memref<18432x768xf32, #tpu.memory_space<hbm>> -> memref<72x768xf32, #tpu.memory_space<hbm>>
    %dma_wait3A_109 = arith.constant 0 : i32
    %dma_wait3A_110 = tpu.memref_slice %arg4[%add3A_95, %dma_wait3A_109] : memref<18432x768xf32, #tpu.memory_space<hbm>> -> memref<72x768xf32, #tpu.memory_space<hbm>>
    tpu.wait_dma2 semaphore(%arg11 : memref<!tpu.dma_semaphore, #tpu.memory_space<semaphore_mem>>) src(%arg7 : memref<72x768xf32, #tpu.memory_space<vmem>>) dst(%dma_wait3A_110 : memref<72x768xf32, #tpu.memory_space<hbm>>)
    %dma_start3A_111 = arith.constant 5 : i32
    %dma_start3A_112 = arith.constant 0 : i32
    %dma_start3A_113 = tpu.memref_slice %arg5[%dma_start3A_111, %dma_start3A_112] : memref<8x72xi32, #tpu.memory_space<vmem>> -> memref<1x72xi32, #tpu.memory_space<vmem>>
    %dma_start3A_114 = tpu.memref_squeeze %dma_start3A_113 : memref<1x72xi32, #tpu.memory_space<vmem>> -> memref<72xi32, #tpu.memory_space<vmem>>
    %dma_start3A_115 = arith.constant 0 : i32
    %dma_start3A_116 = arith.constant 0 : i32
    %dma_start3A_117 = tpu.memref_slice %arg2[%dma_start3A_115, %dma_start3A_116] : memref<36864x768xf32, #tpu.memory_space<hbm>> -> memref<36864x768xf32, #tpu.memory_space<hbm>>
    tpu.enqueue_indirect_dma source(%dma_start3A_117 : memref<36864x768xf32, #tpu.memory_space<hbm>>) target(%arg7 : memref<72x768xf32, #tpu.memory_space<vmem>>) offsets(%dma_start3A_114 : memref<72xi32, #tpu.memory_space<vmem>>) semaphore(%arg9 : memref<!tpu.dma_semaphore, #tpu.memory_space<semaphore_mem>>)
    %add3A_118 = arith.constant 288 : i32
    %add3A_119 = arith.addi %mul3A_2, %add3A_118 : i32
    %dma_start3A_120 = arith.constant 0 : i32
    %dma_start3A_121 = tpu.memref_slice %arg4[%add3A_119, %dma_start3A_120] : memref<18432x768xf32, #tpu.memory_space<hbm>> -> memref<72x768xf32, #tpu.memory_space<hbm>>
    %dma_start3A_122 = arith.constant 0 : i32
    %dma_start3A_123 = tpu.memref_slice %arg4[%add3A_119, %dma_start3A_122] : memref<18432x768xf32, #tpu.memory_space<hbm>> -> memref<72x768xf32, #tpu.memory_space<hbm>>
    tpu.enqueue_dma source(%arg6 : memref<72x768xf32, #tpu.memory_space<vmem>>) target(%dma_start3A_123 : memref<72x768xf32, #tpu.memory_space<hbm>>) target_semaphore(%arg10 : memref<!tpu.dma_semaphore, #tpu.memory_space<semaphore_mem>>)
    %dma_wait3A_124 = arith.constant 5 : i32
    %dma_wait3A_125 = arith.constant 0 : i32
    %dma_wait3A_126 = tpu.memref_slice %arg5[%dma_wait3A_124, %dma_wait3A_125] : memref<8x72xi32, #tpu.memory_space<vmem>> -> memref<1x72xi32, #tpu.memory_space<vmem>>
    %dma_wait3A_127 = tpu.memref_squeeze %dma_wait3A_126 : memref<1x72xi32, #tpu.memory_space<vmem>> -> memref<72xi32, #tpu.memory_space<vmem>>
    %dma_wait3A_128 = arith.constant 0 : i32
    %dma_wait3A_129 = arith.constant 0 : i32
    %dma_wait3A_130 = tpu.memref_slice %arg2[%dma_wait3A_128, %dma_wait3A_129] : memref<36864x768xf32, #tpu.memory_space<hbm>> -> memref<36864x768xf32, #tpu.memory_space<hbm>>
    tpu.wait_indirect_dma semaphore(%arg9 : memref<!tpu.dma_semaphore, #tpu.memory_space<semaphore_mem>>) src(%dma_wait3A_130 : memref<36864x768xf32, #tpu.memory_space<hbm>>) dst(%arg7 : memref<72x768xf32, #tpu.memory_space<vmem>>)
    %dma_wait3A_131 = arith.constant 0 : i32
    %dma_wait3A_132 = tpu.memref_slice %arg4[%add3A_119, %dma_wait3A_131] : memref<18432x768xf32, #tpu.memory_space<hbm>> -> memref<72x768xf32, #tpu.memory_space<hbm>>
    %dma_wait3A_133 = arith.constant 0 : i32
    %dma_wait3A_134 = tpu.memref_slice %arg4[%add3A_119, %dma_wait3A_133] : memref<18432x768xf32, #tpu.memory_space<hbm>> -> memref<72x768xf32, #tpu.memory_space<hbm>>
    tpu.wait_dma2 semaphore(%arg10 : memref<!tpu.dma_semaphore, #tpu.memory_space<semaphore_mem>>) src(%arg6 : memref<72x768xf32, #tpu.memory_space<vmem>>) dst(%dma_wait3A_134 : memref<72x768xf32, #tpu.memory_space<hbm>>)
    %dma_start3A_135 = arith.constant 6 : i32
    %dma_start3A_136 = arith.constant 0 : i32
    %dma_start3A_137 = tpu.memref_slice %arg5[%dma_start3A_135, %dma_start3A_136] : memref<8x72xi32, #tpu.memory_space<vmem>> -> memref<1x72xi32, #tpu.memory_space<vmem>>
    %dma_start3A_138 = tpu.memref_squeeze %dma_start3A_137 : memref<1x72xi32, #tpu.memory_space<vmem>> -> memref<72xi32, #tpu.memory_space<vmem>>
    %dma_start3A_139 = arith.constant 0 : i32
    %dma_start3A_140 = arith.constant 0 : i32
    %dma_start3A_141 = tpu.memref_slice %arg2[%dma_start3A_139, %dma_start3A_140] : memref<36864x768xf32, #tpu.memory_space<hbm>> -> memref<36864x768xf32, #tpu.memory_space<hbm>>
    tpu.enqueue_indirect_dma source(%dma_start3A_141 : memref<36864x768xf32, #tpu.memory_space<hbm>>) target(%arg6 : memref<72x768xf32, #tpu.memory_space<vmem>>) offsets(%dma_start3A_138 : memref<72xi32, #tpu.memory_space<vmem>>) semaphore(%arg8 : memref<!tpu.dma_semaphore, #tpu.memory_space<semaphore_mem>>)
    %add3A_142 = arith.constant 360 : i32
    %add3A_143 = arith.addi %mul3A_2, %add3A_142 : i32
    %dma_start3A_144 = arith.constant 0 : i32
    %dma_start3A_145 = tpu.memref_slice %arg4[%add3A_143, %dma_start3A_144] : memref<18432x768xf32, #tpu.memory_space<hbm>> -> memref<72x768xf32, #tpu.memory_space<hbm>>
    %dma_start3A_146 = arith.constant 0 : i32
    %dma_start3A_147 = tpu.memref_slice %arg4[%add3A_143, %dma_start3A_146] : memref<18432x768xf32, #tpu.memory_space<hbm>> -> memref<72x768xf32, #tpu.memory_space<hbm>>
    tpu.enqueue_dma source(%arg7 : memref<72x768xf32, #tpu.memory_space<vmem>>) target(%dma_start3A_147 : memref<72x768xf32, #tpu.memory_space<hbm>>) target_semaphore(%arg11 : memref<!tpu.dma_semaphore, #tpu.memory_space<semaphore_mem>>)
    %dma_wait3A_148 = arith.constant 6 : i32
    %dma_wait3A_149 = arith.constant 0 : i32
    %dma_wait3A_150 = tpu.memref_slice %arg5[%dma_wait3A_148, %dma_wait3A_149] : memref<8x72xi32, #tpu.memory_space<vmem>> -> memref<1x72xi32, #tpu.memory_space<vmem>>
    %dma_wait3A_151 = tpu.memref_squeeze %dma_wait3A_150 : memref<1x72xi32, #tpu.memory_space<vmem>> -> memref<72xi32, #tpu.memory_space<vmem>>
    %dma_wait3A_152 = arith.constant 0 : i32
    %dma_wait3A_153 = arith.constant 0 : i32
    %dma_wait3A_154 = tpu.memref_slice %arg2[%dma_wait3A_152, %dma_wait3A_153] : memref<36864x768xf32, #tpu.memory_space<hbm>> -> memref<36864x768xf32, #tpu.memory_space<hbm>>
    tpu.wait_indirect_dma semaphore(%arg8 : memref<!tpu.dma_semaphore, #tpu.memory_space<semaphore_mem>>) src(%dma_wait3A_154 : memref<36864x768xf32, #tpu.memory_space<hbm>>) dst(%arg6 : memref<72x768xf32, #tpu.memory_space<vmem>>)
    %dma_wait3A_155 = arith.constant 0 : i32
    %dma_wait3A_156 = tpu.memref_slice %arg4[%add3A_143, %dma_wait3A_155] : memref<18432x768xf32, #tpu.memory_space<hbm>> -> memref<72x768xf32, #tpu.memory_space<hbm>>
    %dma_wait3A_157 = arith.constant 0 : i32
    %dma_wait3A_158 = tpu.memref_slice %arg4[%add3A_143, %dma_wait3A_157] : memref<18432x768xf32, #tpu.memory_space<hbm>> -> memref<72x768xf32, #tpu.memory_space<hbm>>
    tpu.wait_dma2 semaphore(%arg11 : memref<!tpu.dma_semaphore, #tpu.memory_space<semaphore_mem>>) src(%arg7 : memref<72x768xf32, #tpu.memory_space<vmem>>) dst(%dma_wait3A_158 : memref<72x768xf32, #tpu.memory_space<hbm>>)
    %dma_start3A_159 = arith.constant 7 : i32
    %dma_start3A_160 = arith.constant 0 : i32
    %dma_start3A_161 = tpu.memref_slice %arg5[%dma_start3A_159, %dma_start3A_160] : memref<8x72xi32, #tpu.memory_space<vmem>> -> memref<1x72xi32, #tpu.memory_space<vmem>>
    %dma_start3A_162 = tpu.memref_squeeze %dma_start3A_161 : memref<1x72xi32, #tpu.memory_space<vmem>> -> memref<72xi32, #tpu.memory_space<vmem>>
    %dma_start3A_163 = arith.constant 0 : i32
    %dma_start3A_164 = arith.constant 0 : i32
    %dma_start3A_165 = tpu.memref_slice %arg2[%dma_start3A_163, %dma_start3A_164] : memref<36864x768xf32, #tpu.memory_space<hbm>> -> memref<36864x768xf32, #tpu.memory_space<hbm>>
    tpu.enqueue_indirect_dma source(%dma_start3A_165 : memref<36864x768xf32, #tpu.memory_space<hbm>>) target(%arg7 : memref<72x768xf32, #tpu.memory_space<vmem>>) offsets(%dma_start3A_162 : memref<72xi32, #tpu.memory_space<vmem>>) semaphore(%arg9 : memref<!tpu.dma_semaphore, #tpu.memory_space<semaphore_mem>>)
    %add3A_166 = arith.constant 432 : i32
    %add3A_167 = arith.addi %mul3A_2, %add3A_166 : i32
    %dma_start3A_168 = arith.constant 0 : i32
    %dma_start3A_169 = tpu.memref_slice %arg4[%add3A_167, %dma_start3A_168] : memref<18432x768xf32, #tpu.memory_space<hbm>> -> memref<72x768xf32, #tpu.memory_space<hbm>>
    %dma_start3A_170 = arith.constant 0 : i32
    %dma_start3A_171 = tpu.memref_slice %arg4[%add3A_167, %dma_start3A_170] : memref<18432x768xf32, #tpu.memory_space<hbm>> -> memref<72x768xf32, #tpu.memory_space<hbm>>
    tpu.enqueue_dma source(%arg6 : memref<72x768xf32, #tpu.memory_space<vmem>>) target(%dma_start3A_171 : memref<72x768xf32, #tpu.memory_space<hbm>>) target_semaphore(%arg10 : memref<!tpu.dma_semaphore, #tpu.memory_space<semaphore_mem>>)
    %dma_wait3A_172 = arith.constant 7 : i32
    %dma_wait3A_173 = arith.constant 0 : i32
    %dma_wait3A_174 = tpu.memref_slice %arg5[%dma_wait3A_172, %dma_wait3A_173] : memref<8x72xi32, #tpu.memory_space<vmem>> -> memref<1x72xi32, #tpu.memory_space<vmem>>
    %dma_wait3A_175 = tpu.memref_squeeze %dma_wait3A_174 : memref<1x72xi32, #tpu.memory_space<vmem>> -> memref<72xi32, #tpu.memory_space<vmem>>
    %dma_wait3A_176 = arith.constant 0 : i32
    %dma_wait3A_177 = arith.constant 0 : i32
    %dma_wait3A_178 = tpu.memref_slice %arg2[%dma_wait3A_176, %dma_wait3A_177] : memref<36864x768xf32, #tpu.memory_space<hbm>> -> memref<36864x768xf32, #tpu.memory_space<hbm>>
    tpu.wait_indirect_dma semaphore(%arg9 : memref<!tpu.dma_semaphore, #tpu.memory_space<semaphore_mem>>) src(%dma_wait3A_178 : memref<36864x768xf32, #tpu.memory_space<hbm>>) dst(%arg7 : memref<72x768xf32, #tpu.memory_space<vmem>>)
    %add3A_179 = arith.constant 504 : i32
    %add3A_180 = arith.addi %mul3A_2, %add3A_179 : i32
    %dma_start3A_181 = arith.constant 0 : i32
    %dma_start3A_182 = tpu.memref_slice %arg4[%add3A_180, %dma_start3A_181] : memref<18432x768xf32, #tpu.memory_space<hbm>> -> memref<72x768xf32, #tpu.memory_space<hbm>>
    %dma_start3A_183 = arith.constant 0 : i32
    %dma_start3A_184 = tpu.memref_slice %arg4[%add3A_180, %dma_start3A_183] : memref<18432x768xf32, #tpu.memory_space<hbm>> -> memref<72x768xf32, #tpu.memory_space<hbm>>
    tpu.enqueue_dma source(%arg7 : memref<72x768xf32, #tpu.memory_space<vmem>>) target(%dma_start3A_184 : memref<72x768xf32, #tpu.memory_space<hbm>>) target_semaphore(%arg11 : memref<!tpu.dma_semaphore, #tpu.memory_space<semaphore_mem>>)
    %dma_wait3A_185 = arith.constant 0 : i32
    %dma_wait3A_186 = tpu.memref_slice %arg4[%add3A_167, %dma_wait3A_185] : memref<18432x768xf32, #tpu.memory_space<hbm>> -> memref<72x768xf32, #tpu.memory_space<hbm>>
    %dma_wait3A_187 = arith.constant 0 : i32
    %dma_wait3A_188 = tpu.memref_slice %arg4[%add3A_167, %dma_wait3A_187] : memref<18432x768xf32, #tpu.memory_space<hbm>> -> memref<72x768xf32, #tpu.memory_space<hbm>>
    tpu.wait_dma2 semaphore(%arg10 : memref<!tpu.dma_semaphore, #tpu.memory_space<semaphore_mem>>) src(%arg6 : memref<72x768xf32, #tpu.memory_space<vmem>>) dst(%dma_wait3A_188 : memref<72x768xf32, #tpu.memory_space<hbm>>)
    %dma_wait3A_189 = arith.constant 0 : i32
    %dma_wait3A_190 = tpu.memref_slice %arg4[%add3A_180, %dma_wait3A_189] : memref<18432x768xf32, #tpu.memory_space<hbm>> -> memref<72x768xf32, #tpu.memory_space<hbm>>
    %dma_wait3A_191 = arith.constant 0 : i32
    %dma_wait3A_192 = tpu.memref_slice %arg4[%add3A_180, %dma_wait3A_191] : memref<18432x768xf32, #tpu.memory_space<hbm>> -> memref<72x768xf32, #tpu.memory_space<hbm>>
    tpu.wait_dma2 semaphore(%arg11 : memref<!tpu.dma_semaphore, #tpu.memory_space<semaphore_mem>>) src(%arg7 : memref<72x768xf32, #tpu.memory_space<vmem>>) dst(%dma_wait3A_192 : memref<72x768xf32, #tpu.memory_space<hbm>>)
    return
  }
}

</mosaic_0001>

<sc_bundles>
// kernel: kernel.3.cloned.1.call-start
scs
__scs_entry_jumppad:
0x0: {  	(pc) =	sbr.rel $0x88, $3  }
0x1: {  	(tag) =	ssettag $0x0;
	lr =	simm.s32 $0x1  }
0x2: {  	[smem:$0x3FA0] =	sst lr;
	_ =	strace $0xD0000000  }
0x3: {  	_ = 	snop  }
0x4: {  	_ = 	snop  }
0x5: {  	_ = 	snop  }
0x6: {  	_ = 	snop  }
0x7: {  	_ = 	snop  }
__scs_overlays_trampoline_lowered:
0x8: {  	[smem:$0x3FAF] =	sst s0  }
0x9: {  	[smem:$0x3FB0] =	sst s1  }
0xa: {  	[smem:$0x3FB1] =	sst s2  }
0xb: {  	[smem:$0x3FB2] =	sst s3  }
0xc: {  	[smem:$0x3FB3] =	sst s4  }
0xd: {  	[smem:$0x3FB4] =	sst s5  }
0xe: {  	[smem:$0x3FB5] =	sst s6  }
0xf: {  	[smem:$0x3FB6] =	sst s7  }
0x10: {  	[smem:$0x3FB7] =	sst s8  }
0x11: {  	[smem:$0x3FB8] =	sst s9;
	s0 =	simm.s32 @!p0 $0x0  }
0x12: {  	s1 =	sld [smem:$0x3F9E];
	s0 =	simm.s32 @p0 $0x1  }
0x13: {  	[smem:$0x3FB9] =	sst s0;
	s0 =	simm.s32 @!p1 $0x0  }
0x14: {  	s2 =	sld [smem:$0x3F9D];
	s0 =	simm.s32 @p1 $0x1  }
0x15: {  	[smem:$0x3FBA] =	sst s0;
	s0 =	simm.s32 @!p2 $0x0  }
0x16: {  	s3 =	sld [smem:$0x3FDB];
	s0 =	simm.s32 @p2 $0x1  }
0x17: {  	s4 =	simm.s32 $0x1BF5;
	[smem:$0x3FBC] =	sst s0  }
0x18: {  	s0 =	sld [smem:$0x3F9F];
	_ =	swait.ge [sflag:s4], $0x0  }
0x19: {  	s7 =	sld [smem:$0x3FA0]  }
0x1a: {  	s8 =	sadd.s32 $0xFFFFE003, lr  }
0x1b: {  	s9 =	sadd.s32 $0xFFFFFEF7, lr;
	s5 =	simm.s32 $0xFFFFFFFF;
	p2 =	slt.u32 s8, $0xFFFFF086  }
0x1c: {  	p1 =	slt.u32 s9, $0xF7A;
	s5 =	simm.s32 @!p2 $0x0  }
0x1d: {  	s5 =	simm.s32 @p1 $0x1;
	p0 =	seq.s32 s7, s2  }
0x1e: {  	s7 =	smul.u32 @!p0 $0xF7A, s2;
	p2 =	seq.s32 @!p0 s5, $0x0  }
0x1f: {  	s9 =	smul.u32 $0xF7A, s1;
	s8 =	simm.s32 @!p0 $0x1BF5;
	p2 =	por !p2, p0  }
0x20: {  	[sflag:s8] =	ssyncset.s32 @!p0 $0xFFFFF086;
	s6 =	sadd.s32 @!p0 s3, s7;
	s7 =	simm.s32 @!p0 $0x108  }
0x21: {  	s3 =	sadd.s32 s3, s9;
	s6 =	sadd.s32 @!p0 $0x88, s6;
	s7 =	simm.s32 @p2 $0x1082  }
0x22: {  	[simem:s7], [sflag:s8] =	dma.local @!p0 [hbm:s6], $0xF7A  }
0x23: {  	s9 =	sor.u32 $0xD0000000, s2;
	s6 =	simm.s32 $0x108;
	_ =	swait.ge @!p0 [sflag:s8], $0x0  }
0x24: {  	s3 =	sadd.s32 $0x88, s3;
	s6 =	simm.s32 @!p1 $0x1082;
	[sflag:s4] =	ssyncset.s32 $0xFFFFF086  }
0x25: {  	[simem:s6], [sflag:s4] =	dma.local [hbm:s3], $0xF7A  }
0x26: {  	[smem:$0x3FA0] =	sst s1;
	(tag) =	ssettag s2;
	_ =	strace s9  }
0x27: {  	s1 =	sld [smem:$0x3FB0]  }
0x28: {  	s2 =	sld [smem:$0x3FB1]  }
0x29: {  	s4 =	sld [smem:$0x3FB3]  }
0x2a: {  	p0 =	seq.s32 s5, $0x0;
	s5 =	sld [smem:$0x3FB4]  }
0x2b: {  	s6 =	sld [smem:$0x3FB5]  }
0x2c: {  	s7 =	sld [smem:$0x3FB6]  }
0x2d: {  	s3 =	simm.s32 $0x108;
	s8 =	sld [smem:$0x3FB7]  }
0x2e: {  	s3 =	simm.s32 @!p0 $0x1082;
	s9 =	sld [smem:$0x3FB8]  }
0x2f: {  	lr =	sadd.s32 s0, s3;
	s0 =	sld [smem:$0x3FAF]  }
0x30: {  	s3 =	sld [smem:$0x3FB2]  }
0x31: {  	[smem:$0x3FBB] =	sst s10  }
0x32: {  	s10 =	sld [smem:$0x3FB9];
	_ =	sdelay $0x3  }
0x33: {  	p0 =	seq.s32 s10, $0x1;
	s10 =	sld [smem:$0x3FBB];
	_ =	sdelay $0x3  }
0x34: {  	[smem:$0x3FBB] =	sst s10  }
0x35: {  	s10 =	sld [smem:$0x3FBA];
	_ =	sdelay $0x3  }
0x36: {  	p1 =	seq.s32 s10, $0x1;
	s10 =	sld [smem:$0x3FBB];
	_ =	sdelay $0x3  }
0x37: {  	[smem:$0x3FBB] =	sst s10  }
0x38: {  	s10 =	sld [smem:$0x3FBC]  }
0x39: {  	_ = 	snop;
	(pc) =	sbr.ind lr, $3  }
0x3a: {  	_ = 	snop  }
0x3b: {  	_ = 	snop  }
0x3c: {  	p2 =	seq.s32 s10, $0x1;
	s10 =	sld [smem:$0x3FBB]  }
0x3d: {  	_ =	shalt  }
0x3e: {  	_ =	shalt  }
0x3f: {  	_ =	shalt  }
0x40: {  	_ =	shalt  }
0x41: {  	_ =	shalt  }
0x42: {  	_ =	shalt  }
0x43: {  	_ =	shalt  }
0x44: {  	_ =	shalt  }
0x45: {  	_ =	shalt  }
0x46: {  	_ =	shalt  }
0x47: {  	_ =	shalt  }
0x48: {  	_ =	shalt  }
0x49: {  	_ =	shalt  }
0x4a: {  	_ =	shalt  }
0x4b: {  	_ =	shalt  }
0x4c: {  	_ =	shalt  }
0x4d: {  	_ =	shalt  }
0x4e: {  	_ =	shalt  }
0x4f: {  	_ =	shalt  }
0x50: {  	_ =	shalt  }
0x51: {  	_ =	shalt  }
0x52: {  	_ =	shalt  }
0x53: {  	_ =	shalt  }
0x54: {  	_ =	shalt  }
0x55: {  	_ =	shalt  }
0x56: {  	_ =	shalt  }
0x57: {  	_ =	shalt  }
0x58: {  	_ =	shalt  }
0x59: {  	_ =	shalt  }
0x5a: {  	_ =	shalt  }
0x5b: {  	_ =	shalt  }
0x5c: {  	_ =	shalt  }
0x5d: {  	_ =	shalt  }
0x5e: {  	_ =	shalt  }
0x5f: {  	_ =	shalt  }
0x60: {  	_ =	shalt  }
0x61: {  	_ =	shalt  }
0x62: {  	_ =	shalt  }
0x63: {  	_ =	shalt  }
0x64: {  	_ =	shalt  }
0x65: {  	_ =	shalt  }
0x66: {  	_ =	shalt  }
0x67: {  	_ =	shalt  }
0x68: {  	_ =	shalt  }
0x69: {  	_ =	shalt  }
0x6a: {  	_ =	shalt  }
0x6b: {  	_ =	shalt  }
0x6c: {  	_ =	shalt  }
0x6d: {  	_ =	shalt  }
0x6e: {  	_ =	shalt  }
0x6f: {  	_ =	shalt  }
0x70: {  	_ =	shalt  }
0x71: {  	_ =	shalt  }
0x72: {  	_ =	shalt  }
0x73: {  	_ =	shalt  }
0x74: {  	_ =	shalt  }
0x75: {  	_ =	shalt  }
0x76: {  	_ =	shalt  }
0x77: {  	_ =	shalt  }
0x78: {  	_ =	shalt  }
0x79: {  	_ =	shalt  }
0x7a: {  	_ =	shalt  }
0x7b: {  	_ =	shalt  }
0x7c: {  	_ =	shalt  }
0x7d: {  	_ =	shalt  }
0x7e: {  	_ =	shalt  }
0x7f: {  	_ =	shalt  }
0x80: {  	_ =	shalt  }
0x81: {  	_ =	shalt  }
0x82: {  	_ =	shalt  }
0x83: {  	_ =	shalt  }
0x84: {  	_ =	shalt  }
0x85: {  	_ =	shalt  }
0x86: {  	_ =	shalt  }
0x87: {  	_ =	shalt  }
.Lfunc_end0:
.L_simem_size_0:
called_computation_lowered:
.L_overlay_start_0:
0x88: {  	s2 =	sld [smem:$0x3FD9]  }
0x89: {  	s3 =	sld [smem:$0x3FFE];
	_ =	sdelay $0x1  }
0x8a: {  	s1 =	srdreg.scid  }
0x8b: {  	s0 =	sand.u32 $0x1, s1  }
0x8c: {  	s17 =	sshll.u32 s0, $0xA;
	s2 =	sadd.s32 s3, s2  }
0x8d: {  	s2 =	sadd.s32 s2, s17  }
0x8e: {  	[smem:$0x3FC7] =	sst s2  }
0x8f: {  	_ = 	snop  }
0x90: {  	s2 =	sld [smem:$0x3FC9]  }
0x91: {  	s18 =	sld [smem:$0x3FD0];
	(tm) =	ssettm $0x1  }
0x92: {  	s4 =	sld [smem:$0x3FFB];
	_ =	sdelay $0x3  }
0x93: {  	_ =	strace s4  }
0x94: {  	s4 =	sld [smem:$0x3FFC];
	_ =	sdelay $0x3  }
0x95: {  	_ =	strace s4  }
0x96: {  	s4 =	sld [smem:$0x3FFD];
	_ =	sdelay $0x3  }
0x97: {  	_ =	strace s4  }
0x98: {  	_ =	strace $0x8FFFFFFF  }
0x99: {  	s19 =	sld [smem:$0x3FDB];
	_ =	sdelay $0x1  }
0x9a: {  	s5 =	simm.s32 $_scs_section_size  }
0x9b: {  	s6 =	simm.s32 $_size__tile_overlayer_lowered;
	s7 =	simm.s32 $_tile_overlayer_lowered  }
0x9c: {  	s22 =	simm.s32 $0x1BFF;
	s21 =	sshll.u32 s7, $0x1;
	s4 =	sadd.s32 s5, s19  }
0x9d: {  	s8 =	simm.s32 $0x0;
	s20 =	sshll.u32 s6, $0x1;
	s6 =	sadd.s32 s21, s4  }
0x9e: {  	[timem:s8], [sflag:s22] =	dma.local [hbm:s6], s20  }
0x9f: {  	_ =	swait.ge [sflag:s22], s20  }
0xa0: {  	s5 =	ssub.s32 $0x0, s20;
	[sflag:s22] =	ssyncset.done $0x0  }
0xa1: {  	[sflag:s22] =	ssyncadd.s32 s5;
	_ =	sdelay $0x1  }
0xa2: {  	s23 =	simm.s32 $0x1B8B  }
0xa3: {  	_ =	swait.ge [sflag:s23], $0x1  }
0xa4: {  	[sflag:s23] =	ssyncset.done $0x0  }
0xa5: {  	s25 =	simm.s32 $0x1B8E;
	s24 =	sld [smem:$0x3FFE];
	[sflag:s23] =	ssyncadd.s32 $0xFFFFFFFF  }
0xa6: {  	s26 =	simm.s32 $execute0_lowered;
	[smem:$0x3FD2] =	sst s25  }
0xa7: {  	s6 =	sshll.u32 s26, $0x1;
	_ =	strace $0x80000046;
	[dreg:$0x1] =	wrdreg $0xFFFFFFFF  }
0xa8: {  	s28 =	simm.s32 $_size_execute0_lowered;
	s4 =	sadd.s32 s4, s6;
	[dreg:$0x0] =	wrdreg $0x0  }
0xa9: {  	s6 =	sshll.u32 s28, $0x1;
	[dreg:$0x2] =	wrdreg s4  }
0xaa: {  	[dreg:$0x3] =	wrdreg s6  }
0xab: {  	[dreg:$0x4] =	wrdreg $0xC0  }
0xac: {  	_ =	task [dreg:s8], $0x5FFFF  }
0xad: {  	[dreg:$0x1] =	wrdreg $0xFFFFFFFF  }
0xae: {  	[dreg:$0x0] =	wrdreg $0x60  }
0xaf: {  	[dreg:$0x2] =	wrdreg s2  }
0xb0: {  	[dreg:$0x3] =	wrdreg s24  }
0xb1: {  	[dreg:$0x4] =	wrdreg s18  }
0xb2: {  	[dreg:$0x5] =	wrdreg $0x9  }
0xb3: {  	_ =	task.clear_ibuf [dreg:s8], $0x6FFFF;
	_ =	strace $0x90000046  }
0xb4: {  	s29 =	simm.s32 $0x9;
	_ =	strace $0x80000048  }
0xb5: {  	_ =	swait.ge [sflag:s29], $0x1  }
0xb6: {  	[sflag:s29] =	ssyncadd.s32 $0xFFFFFFFF  }
0xb7: {  	_ =	strace $0x90000048  }
0xb8: {  	_ =	sfence  }
0xb9: {  	s30 =	sld [smem:$0x0];
	_ =	sdelay $0x2  }
0xba: {  	s31 =	sshll.u32 s1, $0xD;
	s1 =	sshrl.u32 s1, $0x2  }
0xbb: {  	s3 =	sand.u32 $0x4000, s31;
	s1 =	sadd.s32 s1, s30  }
0xbc: {  	s0 =	sor.u32 s3, s0;
	s1 =	sshll.u32 s1, $0x11  }
0xbd: {  	s0 =	sor.u32 s1, s0  }
0xbe: {  	s0 =	sadd.s32 $0x8F2B, s0  }
0xbf: {  	[sflag:s0] =	ssyncadd.remote.s32 $0x1  }
0xc0: {  	_ =	sfence.sel $0xFFFF  }
0xc1: {  	[dreg:$0x0] =	wrdreg $0xFFFFFFFF;
	(pc) =	sbr.abs _section_cstart, $3  }
0xc2: {  	[dreg:$0x1] =	wrdreg $0xFFFFFFFF  }
0xc3: {  	_ =	task.clear_ibuf [dreg:s8], $0x2FFFF;
	_ =	strace $0x9FFFFFFF  }
0xc4: {  	(tm) =	ssettm $0x7FFFFFFF  }
0xc5: {  	_ =	shalt  }
tec
execute0_lowered:
.L_overlay_start_1:
0x0: {  	(tag) =	ssettag $0x1  }
0x1: {  	s0 =	srdreg.scid;
	s2 =	rddreg [dreg:$0x0]  }
0x2: {  	s1 =	stileid.u32;
	s4 =	rddreg [dreg:$0x1]  }
0x3: {  	s6 =	rddreg [dreg:$0x2];
	s3 =	simm.s32 $0x0;
	s11 =	simm.s32 $0x1  }
0x4: {  	s16 =	simm.s32 $0x2;
	s0 =	sand.u32 $0x1, s0;
	s1 =	sshll.u32 s1, $0x1  }
0x5: {  	s17 =	simm.s32 $0x3;
	s18 =	simm.s32 $0x4;
	s1 =	sor.u32 s0, s1  }
0x6: {  	[smem:$0x7FF] =	sst s3;
	s0 =	ssub.s32 $0x2, s0;
	s5 =	smul.u32 $0x240, s1  }
0x7: {  	_ =	strace $0x80000047;
	s1 =	sshll.u32 s1, $0x7;
	s29 =	sshrl.u32 s0, $0x1  }
0x8: {  	s1 =	sadd.s32 s4, s1;
	s7 =	sadd.s32 $0x48, s5;
	s8 =	sshrl.u32 s5, $0x3  }
0x9: {  	[dreg:$0x4] =	wrdreg s1;
	s7 =	sshrl.u32 s7, $0x3;
	s19 =	smul.u32 $0x300, s8  }
0xa: {  	s21 =	sadd.s32 $0xD8, s5;
	s23 =	sadd.s32 $0x168, s5;
	s7 =	smul.u32 $0x300, s7  }
0xb: {  	s5 =	sadd.s32 $0x1F8, s5;
	s22 =	sshrl.u32 s21, $0x3;
	s8 =	sadd.s32 s6, s19  }
0xc: {  	s1 =	smul.u32 $0x300, s22;
	s20 =	sadd.s32 s6, s7;
	[dreg:$0xc] =	wrdreg s8  }
0xd: {  	s24 =	sshrl.u32 s23, $0x3;
	s4 =	sadd.s32 $0x3600, s8;
	[dreg:$0x5] =	wrdreg s20  }
0xe: {  	s5 =	sshrl.u32 s5, $0x3;
	s1 =	sadd.s32 s6, s1;
	[dreg:$0x6] =	wrdreg s4  }
0xf: {  	s28 =	smul.u32 $0x300, s5;
	s25 =	sadd.s32 $0x6C00, s8;
	[dreg:$0x7] =	wrdreg s1  }
0x10: {  	s30 =	sadd.s32 $0xA200, s8;
	s4 =	smul.u32 $0x300, s24;
	[dreg:$0x8] =	wrdreg s25  }
0x11: {  	v2 =	vlaneseq.u32;
	s0 =	ssub.s32 s0, s29;
	s31 =	sadd.s32 s6, s28;
	[dreg:$0xa] =	wrdreg s30  }
0x12: {  	vm0 =	vmmov $0xffff;
	v1 =	vshrl.u32 v2, $0x3;
	s5 =	sadd.s32 $0x100, s2;
	[dreg:$0xb] =	wrdreg s31;
	s26 =	sadd.s32 s6, s4  }
0x13: {  	v0 =	vand.u32 $0x7, v2;
	v2 =	vor.u32 $0x8, v2;
	v1 =	vmul.u32 $0x8, v1;
	s7 =	smax.u32 s0, $0x1;
	s6 =	sadd.s32 $0x200, s2;
	[dreg:$0x9] =	wrdreg s26  }
.LBB2_1:
0x14: {  	s19 =	rddreg [dreg:$0x4];
	s14 =	simm.s32 $0x5  }
0x15: {  	[tilespmem:s3], [sflag:$0x5] =	stream.linear.gather [hbm4b:s19+s3], $0x400, $0x38;
	[tilespmem:$0x1B400] =	vst v63  }
0x16: {  	_ =	swait.ge [sflag:s14], $0x400  }
0x17: {  	[sflag:s14] =	ssyncset.done $0x0  }
0x18: {  	[sflag:s14] =	ssyncadd.s32 $0xFFFFFC00  }
0x19: {  	v3 =	vld [tilespmem:$0x0];
	_ =	sdelay $0x4  }
0x1a: {  	v4 =	vshrl.u32 v3, $0x3  }
0x1b: {  	v4 =	vmul.u32 $0x30, v4  }
0x1c: {  	v3 =	vand.u32 $0x7, v3  }
0x1d: {  	v3 =	vor.u32 v3, v4  }
0x1e: {  	v4 =	vperm.xlane v3, v0;
	_ =	sdelay $0x1  }
0x1f: {  	v4 =	vadd.s32 v1, v4;
	_ =	sdelay $0x3  }
0x20: {  	s0 =	simm.s32 $0x400;
	v3 =	vperm.xlane v3, v2  }
0x21: {  	[tilespmem:s0], [sflag:$0x1] =	stream.indirect_vreg.gather [hbm4b:s2+s3], $0x80, v4, vm0, $0xb8;
	[tilespmem:$0x1B400] =	vst v63  }
0x22: {  	s15 =	simm.s32 $0xC00;
	v3 =	vadd.s32 v1, v3  }
0x23: {  	[tilespmem:s15], [sflag:$0x1] =	stream.indirect_vreg.gather [hbm4b:s5+s3], $0x80, v4, vm0, $0xb8;
	[tilespmem:$0x1B400] =	vst v63  }
0x24: {  	s19 =	simm.s32 $0x1400  }
0x25: {  	[tilespmem:s19], [sflag:$0x1] =	stream.indirect_vreg.gather [hbm4b:s6+s3], $0x80, v4, vm0, $0xb8;
	[tilespmem:$0x1B400] =	vst v63  }
0x26: {  	s20 =	simm.s32 $0x1C00  }
0x27: {  	[tilespmem:s20], [sflag:$0x1] =	stream.indirect_vreg.gather [hbm4b:s2+s3], $0x80, v3, vm0, $0xb8;
	[tilespmem:$0x1B400] =	vst v63  }
0x28: {  	s21 =	simm.s32 $0x2400  }
0x29: {  	[tilespmem:s21], [sflag:$0x1] =	stream.indirect_vreg.gather [hbm4b:s5+s3], $0x80, v3, vm0, $0xb8;
	[tilespmem:$0x1B400] =	vst v63  }
0x2a: {  	s22 =	simm.s32 $0x2C00  }
0x2b: {  	[tilespmem:s22], [sflag:$0x1] =	stream.indirect_vreg.gather [hbm4b:s6+s3], $0x80, v3, vm0, $0xb8;
	[tilespmem:$0x1B400] =	vst v63  }
0x2c: {  	v3 =	vld [tilespmem:$0x10];
	_ =	sdelay $0x4  }
0x2d: {  	v25 =	vshrl.u32 v3, $0x3  }
0x2e: {  	v4 =	vmul.u32 $0x30, v25  }
0x2f: {  	v3 =	vand.u32 $0x7, v3  }
0x30: {  	v3 =	vor.u32 v3, v4  }
0x31: {  	v4 =	vperm.xlane v3, v0;
	_ =	sdelay $0x1  }
0x32: {  	v4 =	vadd.s32 v1, v4;
	_ =	sdelay $0x3  }
0x33: {  	s23 =	simm.s32 $0x3400;
	v3 =	vperm.xlane v3, v2  }
0x34: {  	[tilespmem:s23], [sflag:$0x1] =	stream.indirect_vreg.gather [hbm4b:s2+s3], $0x80, v4, vm0, $0xb8;
	[tilespmem:$0x1B400] =	vst v63  }
0x35: {  	s24 =	simm.s32 $0x3C00;
	v3 =	vadd.s32 v1, v3  }
0x36: {  	[tilespmem:s24], [sflag:$0x1] =	stream.indirect_vreg.gather [hbm4b:s5+s3], $0x80, v4, vm0, $0xb8;
	[tilespmem:$0x1B400] =	vst v63  }
0x37: {  	s25 =	simm.s32 $0x4400  }
0x38: {  	[tilespmem:s25], [sflag:$0x1] =	stream.indirect_vreg.gather [hbm4b:s6+s3], $0x80, v4, vm0, $0xb8;
	[tilespmem:$0x1B400] =	vst v63  }
0x39: {  	s26 =	simm.s32 $0x4C00  }
0x3a: {  	[tilespmem:s26], [sflag:$0x1] =	stream.indirect_vreg.gather [hbm4b:s2+s3], $0x80, v3, vm0, $0xb8;
	[tilespmem:$0x1B400] =	vst v63  }
0x3b: {  	s28 =	simm.s32 $0x5400  }
0x3c: {  	[tilespmem:s28], [sflag:$0x1] =	stream.indirect_vreg.gather [hbm4b:s5+s3], $0x80, v3, vm0, $0xb8;
	[tilespmem:$0x1B400] =	vst v63  }
0x3d: {  	s30 =	simm.s32 $0x5C00  }
0x3e: {  	[tilespmem:s30], [sflag:$0x1] =	stream.indirect_vreg.gather [hbm4b:s6+s3], $0x80, v3, vm0, $0xb8;
	[tilespmem:$0x1B400] =	vst v63  }
0x3f: {  	v3 =	vld [tilespmem:$0x20];
	_ =	sdelay $0x4  }
0x40: {  	v26 =	vshrl.u32 v3, $0x3  }
0x41: {  	v4 =	vmul.u32 $0x30, v26  }
0x42: {  	v3 =	vand.u32 $0x7, v3  }
0x43: {  	v3 =	vor.u32 v3, v4  }
0x44: {  	v4 =	vperm.xlane v3, v0;
	_ =	sdelay $0x1  }
0x45: {  	v4 =	vadd.s32 v1, v4;
	_ =	sdelay $0x3  }
0x46: {  	s31 =	simm.s32 $0x6400;
	v3 =	vperm.xlane v3, v2  }
0x47: {  	[tilespmem:s31], [sflag:$0x1] =	stream.indirect_vreg.gather [hbm4b:s2+s3], $0x80, v4, vm0, $0xb8;
	[tilespmem:$0x1B400] =	vst v63  }
0x48: {  	s1 =	simm.s32 $0x6C00;
	v3 =	vadd.s32 v1, v3  }
0x49: {  	[tilespmem:s1], [sflag:$0x1] =	stream.indirect_vreg.gather [hbm4b:s5+s3], $0x80, v4, vm0, $0xb8;
	[tilespmem:$0x1B400] =	vst v63  }
0x4a: {  	s4 =	simm.s32 $0x7400  }
0x4b: {  	[tilespmem:s4], [sflag:$0x1] =	stream.indirect_vreg.gather [hbm4b:s6+s3], $0x80, v4, vm0, $0xb8;
	[tilespmem:$0x1B400] =	vst v63  }
0x4c: {  	s8 =	simm.s32 $0x7C00  }
0x4d: {  	[tilespmem:s8], [sflag:$0x1] =	stream.indirect_vreg.gather [hbm4b:s2+s3], $0x80, v3, vm0, $0xb8;
	[tilespmem:$0x1B400] =	vst v63  }
0x4e: {  	s9 =	simm.s32 $0x8400  }
0x4f: {  	[tilespmem:s9], [sflag:$0x1] =	stream.indirect_vreg.gather [hbm4b:s5+s3], $0x80, v3, vm0, $0xb8;
	[tilespmem:$0x1B400] =	vst v63  }
0x50: {  	s10 =	simm.s32 $0x8C00  }
0x51: {  	[tilespmem:s10], [sflag:$0x1] =	stream.indirect_vreg.gather [hbm4b:s6+s3], $0x80, v3, vm0, $0xb8;
	[tilespmem:$0x1B400] =	vst v63  }
0x52: {  	v3 =	vld [tilespmem:$0x30];
	_ =	sdelay $0x4  }
0x53: {  	v27 =	vshrl.u32 v3, $0x3  }
0x54: {  	v4 =	vmul.u32 $0x30, v27  }
0x55: {  	v3 =	vand.u32 $0x7, v3  }
0x56: {  	v3 =	vor.u32 v3, v4  }
0x57: {  	v4 =	vperm.xlane v3, v0;
	_ =	sdelay $0x1  }
0x58: {  	v4 =	vadd.s32 v1, v4;
	_ =	sdelay $0x3  }
0x59: {  	s19 =	simm.s32 $0x9400;
	v3 =	vperm.xlane v3, v2  }
0x5a: {  	[tilespmem:s19], [sflag:$0x1] =	stream.indirect_vreg.gather [hbm4b:s2+s3], $0x80, v4, vm0, $0xb8;
	[tilespmem:$0x1B400] =	vst v63  }
0x5b: {  	s20 =	simm.s32 $0x9C00;
	v3 =	vadd.s32 v1, v3  }
0x5c: {  	[tilespmem:s20], [sflag:$0x1] =	stream.indirect_vreg.gather [hbm4b:s5+s3], $0x80, v4, vm0, $0xb8;
	[tilespmem:$0x1B400] =	vst v63  }
0x5d: {  	s21 =	simm.s32 $0xA400  }
0x5e: {  	[tilespmem:s21], [sflag:$0x1] =	stream.indirect_vreg.gather [hbm4b:s6+s3], $0x80, v4, vm0, $0xb8;
	[tilespmem:$0x1B400] =	vst v63  }
0x5f: {  	s24 =	simm.s32 $0xAC00  }
0x60: {  	[tilespmem:s24], [sflag:$0x1] =	stream.indirect_vreg.gather [hbm4b:s2+s3], $0x80, v3, vm0, $0xb8;
	[tilespmem:$0x1B400] =	vst v63  }
0x61: {  	s8 =	simm.s32 $0xB400  }
0x62: {  	[tilespmem:s8], [sflag:$0x1] =	stream.indirect_vreg.gather [hbm4b:s5+s3], $0x80, v3, vm0, $0xb8;
	[tilespmem:$0x1B400] =	vst v63  }
0x63: {  	s19 =	simm.s32 $0xBC00  }
0x64: {  	[tilespmem:s19], [sflag:$0x1] =	stream.indirect_vreg.gather [hbm4b:s6+s3], $0x80, v3, vm0, $0xb8;
	[tilespmem:$0x1B400] =	vst v63  }
0x65: {  	v3 =	vld.msk [tilespmem:$0x40], $0xff;
	_ =	sdelay $0x4  }
0x66: {  	v28 =	vshrl.u32 v3, $0x3  }
0x67: {  	v4 =	vmul.u32 $0x30, v28  }
0x68: {  	v3 =	vand.u32 $0x7, v3  }
0x69: {  	v3 =	vor.u32 v3, v4  }
0x6a: {  	v3 =	vperm.xlane v3, v0;
	_ =	sdelay $0x1  }
0x6b: {  	v3 =	vadd.s32 v1, v3;
	_ =	sdelay $0x3  }
0x6c: {  	s21 =	simm.s32 $0xC400  }
0x6d: {  	[tilespmem:s21], [sflag:$0x1] =	stream.indirect_vreg.gather [hbm4b:s2+s3], $0x80, v3, vm0, $0xb8;
	[tilespmem:$0x1B400] =	vst v63  }
0x6e: {  	s24 =	simm.s32 $0xCC00  }
0x6f: {  	[tilespmem:s24], [sflag:$0x1] =	stream.indirect_vreg.gather [hbm4b:s5+s3], $0x80, v3, vm0, $0xb8;
	[tilespmem:$0x1B400] =	vst v63  }
0x70: {  	s19 =	simm.s32 $0xD400  }
0x71: {  	[tilespmem:s19], [sflag:$0x1] =	stream.indirect_vreg.gather [hbm4b:s6+s3], $0x80, v3, vm0, $0xb8;
	[tilespmem:$0x1B400] =	vst v63  }
0x72: {  	_ =	swait.ge [sflag:s11], $0xD800  }
0x73: {  	[sflag:s11] =	ssyncset.done $0x0  }
0x74: {  	[sflag:s11] =	ssyncadd.s32 $0xFFFF2800  }
0x75: {  	v3 =	vld [tilespmem:$0x80];
	_ =	sdelay $0x4  }
0x76: {  	v29 =	vshrl.u32 v3, $0x3  }
0x77: {  	v4 =	vmul.u32 $0x30, v29  }
0x78: {  	v3 =	vand.u32 $0x7, v3  }
0x79: {  	v3 =	vor.u32 v3, v4  }
0x7a: {  	v4 =	vperm.xlane v3, v0;
	_ =	sdelay $0x1  }
0x7b: {  	v4 =	vadd.s32 v1, v4;
	_ =	sdelay $0x3  }
0x7c: {  	s19 =	simm.s32 $0xDC00;
	v3 =	vperm.xlane v3, v2  }
0x7d: {  	[tilespmem:s19], [sflag:$0x2] =	stream.indirect_vreg.gather [hbm4b:s2+s3], $0x80, v4, vm0, $0xb8;
	[tilespmem:$0x1B400] =	vst v63  }
0x7e: {  	v3 =	vadd.s32 v1, v3;
	s19 =	simm.s32 $0xE400  }
0x7f: {  	[tilespmem:s19], [sflag:$0x2] =	stream.indirect_vreg.gather [hbm4b:s5+s3], $0x80, v4, vm0, $0xb8;
	[tilespmem:$0x1B400] =	vst v63  }
0x80: {  	s19 =	simm.s32 $0xEC00  }
0x81: {  	[tilespmem:s19], [sflag:$0x2] =	stream.indirect_vreg.gather [hbm4b:s6+s3], $0x80, v4, vm0, $0xb8;
	[tilespmem:$0x1B400] =	vst v63  }
0x82: {  	s19 =	simm.s32 $0xF400  }
0x83: {  	[tilespmem:s19], [sflag:$0x2] =	stream.indirect_vreg.gather [hbm4b:s2+s3], $0x80, v3, vm0, $0xb8;
	[tilespmem:$0x1B400] =	vst v63  }
0x84: {  	s19 =	simm.s32 $0xFC00  }
0x85: {  	[tilespmem:s19], [sflag:$0x2] =	stream.indirect_vreg.gather [hbm4b:s5+s3], $0x80, v3, vm0, $0xb8;
	[tilespmem:$0x1B400] =	vst v63  }
0x86: {  	s19 =	simm.s32 $0x10400  }
0x87: {  	[tilespmem:s19], [sflag:$0x2] =	stream.indirect_vreg.gather [hbm4b:s6+s3], $0x80, v3, vm0, $0xb8;
	[tilespmem:$0x1B400] =	vst v63  }
0x88: {  	v3 =	vld [tilespmem:$0x90];
	_ =	sdelay $0x4  }
0x89: {  	v30 =	vshrl.u32 v3, $0x3  }
0x8a: {  	v4 =	vmul.u32 $0x30, v30  }
0x8b: {  	v3 =	vand.u32 $0x7, v3  }
0x8c: {  	v3 =	vor.u32 v3, v4  }
0x8d: {  	v4 =	vperm.xlane v3, v0;
	_ =	sdelay $0x1  }
0x8e: {  	v4 =	vadd.s32 v1, v4;
	_ =	sdelay $0x3  }
0x8f: {  	s19 =	simm.s32 $0x10C00;
	v3 =	vperm.xlane v3, v2  }
0x90: {  	[tilespmem:s19], [sflag:$0x2] =	stream.indirect_vreg.gather [hbm4b:s2+s3], $0x80, v4, vm0, $0xb8;
	[tilespmem:$0x1B400] =	vst v63  }
0x91: {  	v3 =	vadd.s32 v1, v3;
	s19 =	simm.s32 $0x11400  }
0x92: {  	[tilespmem:s19], [sflag:$0x2] =	stream.indirect_vreg.gather [hbm4b:s5+s3], $0x80, v4, vm0, $0xb8;
	[tilespmem:$0x1B400] =	vst v63  }
0x93: {  	s19 =	simm.s32 $0x11C00  }
0x94: {  	[tilespmem:s19], [sflag:$0x2] =	stream.indirect_vreg.gather [hbm4b:s6+s3], $0x80, v4, vm0, $0xb8;
	[tilespmem:$0x1B400] =	vst v63  }
0x95: {  	s19 =	simm.s32 $0x12400  }
0x96: {  	[tilespmem:s19], [sflag:$0x2] =	stream.indirect_vreg.gather [hbm4b:s2+s3], $0x80, v3, vm0, $0xb8;
	[tilespmem:$0x1B400] =	vst v63  }
0x97: {  	s19 =	simm.s32 $0x12C00  }
0x98: {  	[tilespmem:s19], [sflag:$0x2] =	stream.indirect_vreg.gather [hbm4b:s5+s3], $0x80, v3, vm0, $0xb8;
	[tilespmem:$0x1B400] =	vst v63  }
0x99: {  	s19 =	simm.s32 $0x13400  }
0x9a: {  	[tilespmem:s19], [sflag:$0x2] =	stream.indirect_vreg.gather [hbm4b:s6+s3], $0x80, v3, vm0, $0xb8;
	[tilespmem:$0x1B400] =	vst v63  }
0x9b: {  	v3 =	vld [tilespmem:$0xA0];
	_ =	sdelay $0x4  }
0x9c: {  	v31 =	vshrl.u32 v3, $0x3  }
0x9d: {  	v4 =	vmul.u32 $0x30, v31  }
0x9e: {  	v3 =	vand.u32 $0x7, v3  }
0x9f: {  	v3 =	vor.u32 v3, v4  }
0xa0: {  	v4 =	vperm.xlane v3, v0;
	_ =	sdelay $0x1  }
0xa1: {  	v4 =	vadd.s32 v1, v4;
	_ =	sdelay $0x3  }
0xa2: {  	s19 =	simm.s32 $0x13C00;
	v3 =	vperm.xlane v3, v2  }
0xa3: {  	[tilespmem:s19], [sflag:$0x2] =	stream.indirect_vreg.gather [hbm4b:s2+s3], $0x80, v4, vm0, $0xb8;
	[tilespmem:$0x1B400] =	vst v63  }
0xa4: {  	v3 =	vadd.s32 v1, v3;
	s19 =	simm.s32 $0x14400  }
0xa5: {  	[tilespmem:s19], [sflag:$0x2] =	stream.indirect_vreg.gather [hbm4b:s5+s3], $0x80, v4, vm0, $0xb8;
	[tilespmem:$0x1B400] =	vst v63  }
0xa6: {  	s19 =	simm.s32 $0x14C00  }
0xa7: {  	[tilespmem:s19], [sflag:$0x2] =	stream.indirect_vreg.gather [hbm4b:s6+s3], $0x80, v4, vm0, $0xb8;
	[tilespmem:$0x1B400] =	vst v63  }
0xa8: {  	s19 =	simm.s32 $0x15400  }
0xa9: {  	[tilespmem:s19], [sflag:$0x2] =	stream.indirect_vreg.gather [hbm4b:s2+s3], $0x80, v3, vm0, $0xb8;
	[tilespmem:$0x1B400] =	vst v63  }
0xaa: {  	s19 =	simm.s32 $0x15C00  }
0xab: {  	[tilespmem:s19], [sflag:$0x2] =	stream.indirect_vreg.gather [hbm4b:s5+s3], $0x80, v3, vm0, $0xb8;
	[tilespmem:$0x1B400] =	vst v63  }
0xac: {  	s19 =	simm.s32 $0x16400  }
0xad: {  	[tilespmem:s19], [sflag:$0x2] =	stream.indirect_vreg.gather [hbm4b:s6+s3], $0x80, v3, vm0, $0xb8;
	[tilespmem:$0x1B400] =	vst v63  }
0xae: {  	v3 =	vld [tilespmem:$0xB0];
	_ =	sdelay $0x4  }
0xaf: {  	v32 =	vshrl.u32 v3, $0x3  }
0xb0: {  	v4 =	vmul.u32 $0x30, v32  }
0xb1: {  	v3 =	vand.u32 $0x7, v3  }
0xb2: {  	v3 =	vor.u32 v3, v4  }
0xb3: {  	v4 =	vperm.xlane v3, v0;
	_ =	sdelay $0x1  }
0xb4: {  	v4 =	vadd.s32 v1, v4;
	_ =	sdelay $0x3  }
0xb5: {  	s19 =	simm.s32 $0x16C00;
	v3 =	vperm.xlane v3, v2  }
0xb6: {  	[tilespmem:s19], [sflag:$0x2] =	stream.indirect_vreg.gather [hbm4b:s2+s3], $0x80, v4, vm0, $0xb8;
	[tilespmem:$0x1B400] =	vst v63  }
0xb7: {  	v3 =	vadd.s32 v1, v3;
	s19 =	simm.s32 $0x17400  }
0xb8: {  	[tilespmem:s19], [sflag:$0x2] =	stream.indirect_vreg.gather [hbm4b:s5+s3], $0x80, v4, vm0, $0xb8;
	[tilespmem:$0x1B400] =	vst v63  }
0xb9: {  	s19 =	simm.s32 $0x17C00  }
0xba: {  	[tilespmem:s19], [sflag:$0x2] =	stream.indirect_vreg.gather [hbm4b:s6+s3], $0x80, v4, vm0, $0xb8;
	[tilespmem:$0x1B400] =	vst v63  }
0xbb: {  	s19 =	simm.s32 $0x18400  }
0xbc: {  	[tilespmem:s19], [sflag:$0x2] =	stream.indirect_vreg.gather [hbm4b:s2+s3], $0x80, v3, vm0, $0xb8;
	[tilespmem:$0x1B400] =	vst v63  }
0xbd: {  	s19 =	simm.s32 $0x18C00  }
0xbe: {  	[tilespmem:s19], [sflag:$0x2] =	stream.indirect_vreg.gather [hbm4b:s5+s3], $0x80, v3, vm0, $0xb8;
	[tilespmem:$0x1B400] =	vst v63  }
0xbf: {  	s19 =	simm.s32 $0x19400  }
0xc0: {  	[tilespmem:s19], [sflag:$0x2] =	stream.indirect_vreg.gather [hbm4b:s6+s3], $0x80, v3, vm0, $0xb8;
	[tilespmem:$0x1B400] =	vst v63  }
0xc1: {  	v3 =	vld.msk [tilespmem:$0xC0], $0xff;
	_ =	sdelay $0x4  }
0xc2: {  	v33 =	vshrl.u32 v3, $0x3  }
0xc3: {  	v4 =	vmul.u32 $0x30, v33  }
0xc4: {  	v3 =	vand.u32 $0x7, v3  }
0xc5: {  	v3 =	vor.u32 v3, v4  }
0xc6: {  	v3 =	vperm.xlane v3, v0;
	_ =	sdelay $0x1  }
0xc7: {  	v3 =	vadd.s32 v1, v3;
	_ =	sdelay $0x3  }
0xc8: {  	s19 =	simm.s32 $0x19C00  }
0xc9: {  	[tilespmem:s19], [sflag:$0x2] =	stream.indirect_vreg.gather [hbm4b:s2+s3], $0x80, v3, vm0, $0xb8;
	[tilespmem:$0x1B400] =	vst v63  }
0xca: {  	s19 =	simm.s32 $0x1A400  }
0xcb: {  	[tilespmem:s19], [sflag:$0x2] =	stream.indirect_vreg.gather [hbm4b:s5+s3], $0x80, v3, vm0, $0xb8;
	[tilespmem:$0x1B400] =	vst v63  }
0xcc: {  	s0 =	simm.s32 $0x1AC00  }
0xcd: {  	[tilespmem:s0], [sflag:$0x2] =	stream.indirect_vreg.gather [hbm4b:s6+s3], $0x80, v3, vm0, $0xb8;
	[tilespmem:$0x1B400] =	vst v63  }
0xce: {  	s19 =	rddreg [dreg:$0xc];
	s0 =	simm.s32 $0x400  }
0xcf: {  	[hbm4b:s19+s3] =	stream.linear.scatter [tilespmem:s0], [sflag:$0x3], $0xD800, $0x38;
	[tilespmem:$0x1B400] =	vst v63  }
0xd0: {  	_ =	swait.ge [sflag:s16], $0xD800  }
0xd1: {  	[sflag:s16] =	ssyncset.done $0x0  }
0xd2: {  	[sflag:s16] =	ssyncadd.s32 $0xFFFF2800  }
0xd3: {  	_ =	swait.ge [sflag:s17], $0xD800  }
0xd4: {  	[sflag:s17] =	ssyncset.done $0x0  }
0xd5: {  	[sflag:s17] =	ssyncadd.s32 $0xFFFF2800  }
0xd6: {  	v3 =	vld [tilespmem:$0x100];
	_ =	sdelay $0x4  }
0xd7: {  	v34 =	vshrl.u32 v3, $0x3  }
0xd8: {  	v4 =	vmul.u32 $0x30, v34  }
0xd9: {  	v3 =	vand.u32 $0x7, v3  }
0xda: {  	v3 =	vor.u32 v3, v4  }
0xdb: {  	v4 =	vperm.xlane v3, v0;
	_ =	sdelay $0x1  }
0xdc: {  	v4 =	vadd.s32 v1, v4;
	_ =	sdelay $0x3  }
0xdd: {  	v3 =	vperm.xlane v3, v2  }
0xde: {  	[tilespmem:s0], [sflag:$0x1] =	stream.indirect_vreg.gather [hbm4b:s2+s3], $0x80, v4, vm0, $0xb8;
	[tilespmem:$0x1B400] =	vst v63  }
0xdf: {  	s29 =	simm.s32 $0xC00;
	v3 =	vadd.s32 v1, v3  }
0xe0: {  	[tilespmem:s29], [sflag:$0x1] =	stream.indirect_vreg.gather [hbm4b:s5+s3], $0x80, v4, vm0, $0xb8;
	[tilespmem:$0x1B400] =	vst v63  }
0xe1: {  	s29 =	simm.s32 $0x1400  }
0xe2: {  	[tilespmem:s29], [sflag:$0x1] =	stream.indirect_vreg.gather [hbm4b:s6+s3], $0x80, v4, vm0, $0xb8;
	[tilespmem:$0x1B400] =	vst v63  }
0xe3: {  	s13 =	simm.s32 $0x1C00  }
0xe4: {  	[tilespmem:s13], [sflag:$0x1] =	stream.indirect_vreg.gather [hbm4b:s2+s3], $0x80, v3, vm0, $0xb8;
	[tilespmem:$0x1B400] =	vst v63  }
0xe5: {  	s15 =	simm.s32 $0x2400  }
0xe6: {  	[tilespmem:s15], [sflag:$0x1] =	stream.indirect_vreg.gather [hbm4b:s5+s3], $0x80, v3, vm0, $0xb8;
	[tilespmem:$0x1B400] =	vst v63  }
0xe7: {  	s12 =	simm.s32 $0x2C00  }
0xe8: {  	[tilespmem:s12], [sflag:$0x1] =	stream.indirect_vreg.gather [hbm4b:s6+s3], $0x80, v3, vm0, $0xb8;
	[tilespmem:$0x1B400] =	vst v63  }
0xe9: {  	v3 =	vld [tilespmem:$0x110];
	_ =	sdelay $0x4  }
0xea: {  	v35 =	vshrl.u32 v3, $0x3  }
0xeb: {  	v4 =	vmul.u32 $0x30, v35  }
0xec: {  	v3 =	vand.u32 $0x7, v3  }
0xed: {  	v3 =	vor.u32 v3, v4  }
0xee: {  	v4 =	vperm.xlane v3, v0;
	_ =	sdelay $0x1  }
0xef: {  	v4 =	vadd.s32 v1, v4;
	_ =	sdelay $0x3  }
0xf0: {  	s14 =	simm.s32 $0x3400;
	v3 =	vperm.xlane v3, v2  }
0xf1: {  	[tilespmem:s14], [sflag:$0x1] =	stream.indirect_vreg.gather [hbm4b:s2+s3], $0x80, v4, vm0, $0xb8;
	[tilespmem:$0x1B400] =	vst v63  }
0xf2: {  	s22 =	simm.s32 $0x3C00;
	v3 =	vadd.s32 v1, v3  }
0xf3: {  	[tilespmem:s22], [sflag:$0x1] =	stream.indirect_vreg.gather [hbm4b:s5+s3], $0x80, v4, vm0, $0xb8;
	[tilespmem:$0x1B400] =	vst v63  }
0xf4: {  	s23 =	simm.s32 $0x4400  }
0xf5: {  	[tilespmem:s23], [sflag:$0x1] =	stream.indirect_vreg.gather [hbm4b:s6+s3], $0x80, v4, vm0, $0xb8;
	[tilespmem:$0x1B400] =	vst v63  }
0xf6: {  	s26 =	simm.s32 $0x4C00  }
0xf7: {  	[tilespmem:s26], [sflag:$0x1] =	stream.indirect_vreg.gather [hbm4b:s2+s3], $0x80, v3, vm0, $0xb8;
	[tilespmem:$0x1B400] =	vst v63  }
0xf8: {  	s28 =	simm.s32 $0x5400  }
0xf9: {  	[tilespmem:s28], [sflag:$0x1] =	stream.indirect_vreg.gather [hbm4b:s5+s3], $0x80, v3, vm0, $0xb8;
	[tilespmem:$0x1B400] =	vst v63  }
0xfa: {  	s30 =	simm.s32 $0x5C00  }
0xfb: {  	[tilespmem:s30], [sflag:$0x1] =	stream.indirect_vreg.gather [hbm4b:s6+s3], $0x80, v3, vm0, $0xb8;
	[tilespmem:$0x1B400] =	vst v63  }
0xfc: {  	v3 =	vld [tilespmem:$0x120];
	_ =	sdelay $0x4  }
0xfd: {  	v36 =	vshrl.u32 v3, $0x3  }
0xfe: {  	v4 =	vmul.u32 $0x30, v36  }
0xff: {  	v3 =	vand.u32 $0x7, v3  }
0x100: {  	v3 =	vor.u32 v3, v4  }
0x101: {  	v4 =	vperm.xlane v3, v0;
	_ =	sdelay $0x1  }
0x102: {  	v4 =	vadd.s32 v1, v4;
	_ =	sdelay $0x3  }
0x103: {  	s31 =	simm.s32 $0x6400;
	v3 =	vperm.xlane v3, v2  }
0x104: {  	[tilespmem:s31], [sflag:$0x1] =	stream.indirect_vreg.gather [hbm4b:s2+s3], $0x80, v4, vm0, $0xb8;
	[tilespmem:$0x1B400] =	vst v63  }
0x105: {  	s30 =	simm.s32 $0x6C00;
	v3 =	vadd.s32 v1, v3  }
0x106: {  	[tilespmem:s30], [sflag:$0x1] =	stream.indirect_vreg.gather [hbm4b:s5+s3], $0x80, v4, vm0, $0xb8;
	[tilespmem:$0x1B400] =	vst v63  }
0x107: {  	s31 =	simm.s32 $0x7400  }
0x108: {  	[tilespmem:s31], [sflag:$0x1] =	stream.indirect_vreg.gather [hbm4b:s6+s3], $0x80, v4, vm0, $0xb8;
	[tilespmem:$0x1B400] =	vst v63  }
0x109: {  	s14 =	simm.s32 $0x7C00  }
0x10a: {  	[tilespmem:s14], [sflag:$0x1] =	stream.indirect_vreg.gather [hbm4b:s2+s3], $0x80, v3, vm0, $0xb8;
	[tilespmem:$0x1B400] =	vst v63  }
0x10b: {  	s12 =	simm.s32 $0x8400  }
0x10c: {  	[tilespmem:s12], [sflag:$0x1] =	stream.indirect_vreg.gather [hbm4b:s5+s3], $0x80, v3, vm0, $0xb8;
	[tilespmem:$0x1B400] =	vst v63  }
0x10d: {  	s1 =	simm.s32 $0x8C00  }
0x10e: {  	[tilespmem:s1], [sflag:$0x1] =	stream.indirect_vreg.gather [hbm4b:s6+s3], $0x80, v3, vm0, $0xb8;
	[tilespmem:$0x1B400] =	vst v63  }
0x10f: {  	v3 =	vld [tilespmem:$0x130];
	_ =	sdelay $0x4  }
0x110: {  	v37 =	vshrl.u32 v3, $0x3  }
0x111: {  	v4 =	vmul.u32 $0x30, v37  }
0x112: {  	v3 =	vand.u32 $0x7, v3  }
0x113: {  	v3 =	vor.u32 v3, v4  }
0x114: {  	v4 =	vperm.xlane v3, v0;
	_ =	sdelay $0x1  }
0x115: {  	v4 =	vadd.s32 v1, v4;
	_ =	sdelay $0x3  }
0x116: {  	s4 =	simm.s32 $0x9400;
	v3 =	vperm.xlane v3, v2  }
0x117: {  	[tilespmem:s4], [sflag:$0x1] =	stream.indirect_vreg.gather [hbm4b:s2+s3], $0x80, v4, vm0, $0xb8;
	[tilespmem:$0x1B400] =	vst v63  }
0x118: {  	s25 =	simm.s32 $0x9C00;
	v3 =	vadd.s32 v1, v3  }
0x119: {  	[tilespmem:s25], [sflag:$0x1] =	stream.indirect_vreg.gather [hbm4b:s5+s3], $0x80, v4, vm0, $0xb8;
	[tilespmem:$0x1B400] =	vst v63  }
0x11a: {  	s9 =	simm.s32 $0xA400  }
0x11b: {  	[tilespmem:s9], [sflag:$0x1] =	stream.indirect_vreg.gather [hbm4b:s6+s3], $0x80, v4, vm0, $0xb8;
	[tilespmem:$0x1B400] =	vst v63  }
0x11c: {  	s10 =	simm.s32 $0xAC00  }
0x11d: {  	[tilespmem:s10], [sflag:$0x1] =	stream.indirect_vreg.gather [hbm4b:s2+s3], $0x80, v3, vm0, $0xb8;
	[tilespmem:$0x1B400] =	vst v63  }
0x11e: {  	s20 =	simm.s32 $0xB400  }
0x11f: {  	[tilespmem:s20], [sflag:$0x1] =	stream.indirect_vreg.gather [hbm4b:s5+s3], $0x80, v3, vm0, $0xb8;
	[tilespmem:$0x1B400] =	vst v63  }
0x120: {  	s8 =	simm.s32 $0xBC00  }
0x121: {  	[tilespmem:s8], [sflag:$0x1] =	stream.indirect_vreg.gather [hbm4b:s6+s3], $0x80, v3, vm0, $0xb8;
	[tilespmem:$0x1B400] =	vst v63  }
0x122: {  	v3 =	vld.msk [tilespmem:$0x140], $0xff;
	_ =	sdelay $0x4  }
0x123: {  	v38 =	vshrl.u32 v3, $0x3  }
0x124: {  	v4 =	vmul.u32 $0x30, v38  }
0x125: {  	v3 =	vand.u32 $0x7, v3  }
0x126: {  	v3 =	vor.u32 v3, v4  }
0x127: {  	v3 =	vperm.xlane v3, v0;
	_ =	sdelay $0x1  }
0x128: {  	v3 =	vadd.s32 v1, v3;
	_ =	sdelay $0x3  }
0x129: {  	s21 =	simm.s32 $0xC400  }
0x12a: {  	[tilespmem:s21], [sflag:$0x1] =	stream.indirect_vreg.gather [hbm4b:s2+s3], $0x80, v3, vm0, $0xb8;
	[tilespmem:$0x1B400] =	vst v63  }
0x12b: {  	s24 =	simm.s32 $0xCC00  }
0x12c: {  	[tilespmem:s24], [sflag:$0x1] =	stream.indirect_vreg.gather [hbm4b:s5+s3], $0x80, v3, vm0, $0xb8;
	[tilespmem:$0x1B400] =	vst v63  }
0x12d: {  	s15 =	simm.s32 $0xD400  }
0x12e: {  	[tilespmem:s15], [sflag:$0x1] =	stream.indirect_vreg.gather [hbm4b:s6+s3], $0x80, v3, vm0, $0xb8;
	[tilespmem:$0x1B400] =	vst v63  }
0x12f: {  	s13 =	rddreg [dreg:$0x5];
	s20 =	simm.s32 $0xDC00  }
0x130: {  	[hbm4b:s13+s3] =	stream.linear.scatter [tilespmem:s20], [sflag:$0x4], $0xD800, $0x38;
	[tilespmem:$0x1B400] =	vst v63  }
0x131: {  	_ =	swait.ge [sflag:s11], $0xD800  }
0x132: {  	[sflag:s11] =	ssyncset.done $0x0  }
0x133: {  	[sflag:s11] =	ssyncadd.s32 $0xFFFF2800  }
0x134: {  	_ =	swait.ge [sflag:s18], $0xD800  }
0x135: {  	[sflag:s18] =	ssyncset.done $0x0  }
0x136: {  	[sflag:s18] =	ssyncadd.s32 $0xFFFF2800  }
0x137: {  	v3 =	vld [tilespmem:$0x180];
	_ =	sdelay $0x4  }
0x138: {  	v39 =	vshrl.u32 v3, $0x3  }
0x139: {  	v4 =	vmul.u32 $0x30, v39  }
0x13a: {  	v3 =	vand.u32 $0x7, v3  }
0x13b: {  	v3 =	vor.u32 v3, v4  }
0x13c: {  	v4 =	vperm.xlane v3, v0;
	_ =	sdelay $0x1  }
0x13d: {  	v4 =	vadd.s32 v1, v4;
	_ =	sdelay $0x3  }
0x13e: {  	v3 =	vperm.xlane v3, v2  }
0x13f: {  	[tilespmem:s20], [sflag:$0x2] =	stream.indirect_vreg.gather [hbm4b:s2+s3], $0x80, v4, vm0, $0xb8;
	[tilespmem:$0x1B400] =	vst v63  }
0x140: {  	s21 =	simm.s32 $0xE400;
	v3 =	vadd.s32 v1, v3  }
0x141: {  	[tilespmem:s21], [sflag:$0x2] =	stream.indirect_vreg.gather [hbm4b:s5+s3], $0x80, v4, vm0, $0xb8;
	[tilespmem:$0x1B400] =	vst v63  }
0x142: {  	s1 =	simm.s32 $0xEC00  }
0x143: {  	[tilespmem:s1], [sflag:$0x2] =	stream.indirect_vreg.gather [hbm4b:s6+s3], $0x80, v4, vm0, $0xb8;
	[tilespmem:$0x1B400] =	vst v63  }
0x144: {  	s4 =	simm.s32 $0xF400  }
0x145: {  	[tilespmem:s4], [sflag:$0x2] =	stream.indirect_vreg.gather [hbm4b:s2+s3], $0x80, v3, vm0, $0xb8;
	[tilespmem:$0x1B400] =	vst v63  }
0x146: {  	s8 =	simm.s32 $0xFC00  }
0x147: {  	[tilespmem:s8], [sflag:$0x2] =	stream.indirect_vreg.gather [hbm4b:s5+s3], $0x80, v3, vm0, $0xb8;
	[tilespmem:$0x1B400] =	vst v63  }
0x148: {  	s22 =	simm.s32 $0x10400  }
0x149: {  	[tilespmem:s22], [sflag:$0x2] =	stream.indirect_vreg.gather [hbm4b:s6+s3], $0x80, v3, vm0, $0xb8;
	[tilespmem:$0x1B400] =	vst v63  }
0x14a: {  	v3 =	vld [tilespmem:$0x190];
	_ =	sdelay $0x4  }
0x14b: {  	v40 =	vshrl.u32 v3, $0x3  }
0x14c: {  	v4 =	vmul.u32 $0x30, v40  }
0x14d: {  	v3 =	vand.u32 $0x7, v3  }
0x14e: {  	v3 =	vor.u32 v3, v4  }
0x14f: {  	v4 =	vperm.xlane v3, v0;
	_ =	sdelay $0x1  }
0x150: {  	v4 =	vadd.s32 v1, v4;
	_ =	sdelay $0x3  }
0x151: {  	s23 =	simm.s32 $0x10C00;
	v3 =	vperm.xlane v3, v2  }
0x152: {  	[tilespmem:s23], [sflag:$0x2] =	stream.indirect_vreg.gather [hbm4b:s2+s3], $0x80, v4, vm0, $0xb8;
	[tilespmem:$0x1B400] =	vst v63  }
0x153: {  	s9 =	simm.s32 $0x11400;
	v3 =	vadd.s32 v1, v3  }
0x154: {  	[tilespmem:s9], [sflag:$0x2] =	stream.indirect_vreg.gather [hbm4b:s5+s3], $0x80, v4, vm0, $0xb8;
	[tilespmem:$0x1B400] =	vst v63  }
0x155: {  	s10 =	simm.s32 $0x11C00  }
0x156: {  	[tilespmem:s10], [sflag:$0x2] =	stream.indirect_vreg.gather [hbm4b:s6+s3], $0x80, v4, vm0, $0xb8;
	[tilespmem:$0x1B400] =	vst v63  }
0x157: {  	s13 =	simm.s32 $0x12400  }
0x158: {  	[tilespmem:s13], [sflag:$0x2] =	stream.indirect_vreg.gather [hbm4b:s2+s3], $0x80, v3, vm0, $0xb8;
	[tilespmem:$0x1B400] =	vst v63  }
0x159: {  	s15 =	simm.s32 $0x12C00  }
0x15a: {  	[tilespmem:s15], [sflag:$0x2] =	stream.indirect_vreg.gather [hbm4b:s5+s3], $0x80, v3, vm0, $0xb8;
	[tilespmem:$0x1B400] =	vst v63  }
0x15b: {  	s24 =	simm.s32 $0x13400  }
0x15c: {  	[tilespmem:s24], [sflag:$0x2] =	stream.indirect_vreg.gather [hbm4b:s6+s3], $0x80, v3, vm0, $0xb8;
	[tilespmem:$0x1B400] =	vst v63  }
0x15d: {  	v3 =	vld [tilespmem:$0x1A0];
	_ =	sdelay $0x4  }
0x15e: {  	v41 =	vshrl.u32 v3, $0x3  }
0x15f: {  	v4 =	vmul.u32 $0x30, v41  }
0x160: {  	v3 =	vand.u32 $0x7, v3  }
0x161: {  	v3 =	vor.u32 v3, v4  }
0x162: {  	v4 =	vperm.xlane v3, v0;
	_ =	sdelay $0x1  }
0x163: {  	v4 =	vadd.s32 v1, v4;
	_ =	sdelay $0x3  }
0x164: {  	s25 =	simm.s32 $0x13C00;
	v3 =	vperm.xlane v3, v2  }
0x165: {  	[tilespmem:s25], [sflag:$0x2] =	stream.indirect_vreg.gather [hbm4b:s2+s3], $0x80, v4, vm0, $0xb8;
	[tilespmem:$0x1B400] =	vst v63  }
0x166: {  	s20 =	simm.s32 $0x14400;
	v3 =	vadd.s32 v1, v3  }
0x167: {  	[tilespmem:s20], [sflag:$0x2] =	stream.indirect_vreg.gather [hbm4b:s5+s3], $0x80, v4, vm0, $0xb8;
	[tilespmem:$0x1B400] =	vst v63  }
0x168: {  	s21 =	simm.s32 $0x14C00  }
0x169: {  	[tilespmem:s21], [sflag:$0x2] =	stream.indirect_vreg.gather [hbm4b:s6+s3], $0x80, v4, vm0, $0xb8;
	[tilespmem:$0x1B400] =	vst v63  }
0x16a: {  	s22 =	simm.s32 $0x15400  }
0x16b: {  	[tilespmem:s22], [sflag:$0x2] =	stream.indirect_vreg.gather [hbm4b:s2+s3], $0x80, v3, vm0, $0xb8;
	[tilespmem:$0x1B400] =	vst v63  }
0x16c: {  	s23 =	simm.s32 $0x15C00  }
0x16d: {  	[tilespmem:s23], [sflag:$0x2] =	stream.indirect_vreg.gather [hbm4b:s5+s3], $0x80, v3, vm0, $0xb8;
	[tilespmem:$0x1B400] =	vst v63  }
0x16e: {  	s26 =	simm.s32 $0x16400  }
0x16f: {  	[tilespmem:s26], [sflag:$0x2] =	stream.indirect_vreg.gather [hbm4b:s6+s3], $0x80, v3, vm0, $0xb8;
	[tilespmem:$0x1B400] =	vst v63  }
0x170: {  	v3 =	vld [tilespmem:$0x1B0];
	_ =	sdelay $0x4  }
0x171: {  	v42 =	vshrl.u32 v3, $0x3  }
0x172: {  	v4 =	vmul.u32 $0x30, v42  }
0x173: {  	v3 =	vand.u32 $0x7, v3  }
0x174: {  	v3 =	vor.u32 v3, v4  }
0x175: {  	v4 =	vperm.xlane v3, v0;
	_ =	sdelay $0x1  }
0x176: {  	v4 =	vadd.s32 v1, v4;
	_ =	sdelay $0x3  }
0x177: {  	s28 =	simm.s32 $0x16C00;
	v3 =	vperm.xlane v3, v2  }
0x178: {  	[tilespmem:s28], [sflag:$0x2] =	stream.indirect_vreg.gather [hbm4b:s2+s3], $0x80, v4, vm0, $0xb8;
	[tilespmem:$0x1B400] =	vst v63  }
0x179: {  	s24 =	simm.s32 $0x17400;
	v3 =	vadd.s32 v1, v3  }
0x17a: {  	[tilespmem:s24], [sflag:$0x2] =	stream.indirect_vreg.gather [hbm4b:s5+s3], $0x80, v4, vm0, $0xb8;
	[tilespmem:$0x1B400] =	vst v63  }
0x17b: {  	s25 =	simm.s32 $0x17C00  }
0x17c: {  	[tilespmem:s25], [sflag:$0x2] =	stream.indirect_vreg.gather [hbm4b:s6+s3], $0x80, v4, vm0, $0xb8;
	[tilespmem:$0x1B400] =	vst v63  }
0x17d: {  	s26 =	simm.s32 $0x18400  }
0x17e: {  	[tilespmem:s26], [sflag:$0x2] =	stream.indirect_vreg.gather [hbm4b:s2+s3], $0x80, v3, vm0, $0xb8;
	[tilespmem:$0x1B400] =	vst v63  }
0x17f: {  	s28 =	simm.s32 $0x18C00  }
0x180: {  	[tilespmem:s28], [sflag:$0x2] =	stream.indirect_vreg.gather [hbm4b:s5+s3], $0x80, v3, vm0, $0xb8;
	[tilespmem:$0x1B400] =	vst v63  }
0x181: {  	s29 =	simm.s32 $0x19400  }
0x182: {  	[tilespmem:s29], [sflag:$0x2] =	stream.indirect_vreg.gather [hbm4b:s6+s3], $0x80, v3, vm0, $0xb8;
	[tilespmem:$0x1B400] =	vst v63  }
0x183: {  	v3 =	vld.msk [tilespmem:$0x1C0], $0xff;
	_ =	sdelay $0x4  }
0x184: {  	v43 =	vshrl.u32 v3, $0x3  }
0x185: {  	v4 =	vmul.u32 $0x30, v43  }
0x186: {  	v3 =	vand.u32 $0x7, v3  }
0x187: {  	v3 =	vor.u32 v3, v4  }
0x188: {  	v3 =	vperm.xlane v3, v0;
	_ =	sdelay $0x1  }
0x189: {  	v3 =	vadd.s32 v1, v3;
	_ =	sdelay $0x3  }
0x18a: {  	s29 =	simm.s32 $0x19C00  }
0x18b: {  	[tilespmem:s29], [sflag:$0x2] =	stream.indirect_vreg.gather [hbm4b:s2+s3], $0x80, v3, vm0, $0xb8;
	[tilespmem:$0x1B400] =	vst v63  }
0x18c: {  	s19 =	simm.s32 $0x1A400  }
0x18d: {  	[tilespmem:s19], [sflag:$0x2] =	stream.indirect_vreg.gather [hbm4b:s5+s3], $0x80, v3, vm0, $0xb8;
	[tilespmem:$0x1B400] =	vst v63  }
0x18e: {  	s0 =	simm.s32 $0x1AC00  }
0x18f: {  	[tilespmem:s0], [sflag:$0x2] =	stream.indirect_vreg.gather [hbm4b:s6+s3], $0x80, v3, vm0, $0xb8;
	[tilespmem:$0x1B400] =	vst v63  }
0x190: {  	s19 =	rddreg [dreg:$0x6];
	s0 =	simm.s32 $0x400  }
0x191: {  	[hbm4b:s19+s3] =	stream.linear.scatter [tilespmem:s0], [sflag:$0x3], $0xD800, $0x38;
	[tilespmem:$0x1B400] =	vst v63  }
0x192: {  	_ =	swait.ge [sflag:s16], $0xD800  }
0x193: {  	[sflag:s16] =	ssyncset.done $0x0  }
0x194: {  	[sflag:s16] =	ssyncadd.s32 $0xFFFF2800  }
0x195: {  	_ =	swait.ge [sflag:s17], $0xD800  }
0x196: {  	[sflag:s17] =	ssyncset.done $0x0  }
0x197: {  	[sflag:s17] =	ssyncadd.s32 $0xFFFF2800  }
0x198: {  	v3 =	vld [tilespmem:$0x200];
	_ =	sdelay $0x4  }
0x199: {  	v44 =	vshrl.u32 v3, $0x3  }
0x19a: {  	v4 =	vmul.u32 $0x30, v44  }
0x19b: {  	v3 =	vand.u32 $0x7, v3  }
0x19c: {  	v3 =	vor.u32 v3, v4  }
0x19d: {  	v4 =	vperm.xlane v3, v0;
	_ =	sdelay $0x1  }
0x19e: {  	v4 =	vadd.s32 v1, v4;
	_ =	sdelay $0x3  }
0x19f: {  	v3 =	vperm.xlane v3, v2  }
0x1a0: {  	[tilespmem:s0], [sflag:$0x1] =	stream.indirect_vreg.gather [hbm4b:s2+s3], $0x80, v4, vm0, $0xb8;
	[tilespmem:$0x1B400] =	vst v63  }
0x1a1: {  	s19 =	simm.s32 $0xC00;
	v3 =	vadd.s32 v1, v3  }
0x1a2: {  	[tilespmem:s19], [sflag:$0x1] =	stream.indirect_vreg.gather [hbm4b:s5+s3], $0x80, v4, vm0, $0xb8;
	[tilespmem:$0x1B400] =	vst v63  }
0x1a3: {  	s19 =	simm.s32 $0x1400  }
0x1a4: {  	[tilespmem:s19], [sflag:$0x1] =	stream.indirect_vreg.gather [hbm4b:s6+s3], $0x80, v4, vm0, $0xb8;
	[tilespmem:$0x1B400] =	vst v63  }
0x1a5: {  	s19 =	simm.s32 $0x1C00  }
0x1a6: {  	[tilespmem:s19], [sflag:$0x1] =	stream.indirect_vreg.gather [hbm4b:s2+s3], $0x80, v3, vm0, $0xb8;
	[tilespmem:$0x1B400] =	vst v63  }
0x1a7: {  	s19 =	simm.s32 $0x2400  }
0x1a8: {  	[tilespmem:s19], [sflag:$0x1] =	stream.indirect_vreg.gather [hbm4b:s5+s3], $0x80, v3, vm0, $0xb8;
	[tilespmem:$0x1B400] =	vst v63  }
0x1a9: {  	s19 =	simm.s32 $0x2C00  }
0x1aa: {  	[tilespmem:s19], [sflag:$0x1] =	stream.indirect_vreg.gather [hbm4b:s6+s3], $0x80, v3, vm0, $0xb8;
	[tilespmem:$0x1B400] =	vst v63  }
0x1ab: {  	v3 =	vld [tilespmem:$0x210];
	_ =	sdelay $0x4  }
0x1ac: {  	v45 =	vshrl.u32 v3, $0x3  }
0x1ad: {  	v4 =	vmul.u32 $0x30, v45  }
0x1ae: {  	v3 =	vand.u32 $0x7, v3  }
0x1af: {  	v3 =	vor.u32 v3, v4  }
0x1b0: {  	v4 =	vperm.xlane v3, v0;
	_ =	sdelay $0x1  }
0x1b1: {  	v4 =	vadd.s32 v1, v4;
	_ =	sdelay $0x3  }
0x1b2: {  	s19 =	simm.s32 $0x3400;
	v3 =	vperm.xlane v3, v2  }
0x1b3: {  	[tilespmem:s19], [sflag:$0x1] =	stream.indirect_vreg.gather [hbm4b:s2+s3], $0x80, v4, vm0, $0xb8;
	[tilespmem:$0x1B400] =	vst v63  }
0x1b4: {  	v3 =	vadd.s32 v1, v3;
	s19 =	simm.s32 $0x3C00  }
0x1b5: {  	[tilespmem:s19], [sflag:$0x1] =	stream.indirect_vreg.gather [hbm4b:s5+s3], $0x80, v4, vm0, $0xb8;
	[tilespmem:$0x1B400] =	vst v63  }
0x1b6: {  	s19 =	simm.s32 $0x4400  }
0x1b7: {  	[tilespmem:s19], [sflag:$0x1] =	stream.indirect_vreg.gather [hbm4b:s6+s3], $0x80, v4, vm0, $0xb8;
	[tilespmem:$0x1B400] =	vst v63  }
0x1b8: {  	s19 =	simm.s32 $0x4C00  }
0x1b9: {  	[tilespmem:s19], [sflag:$0x1] =	stream.indirect_vreg.gather [hbm4b:s2+s3], $0x80, v3, vm0, $0xb8;
	[tilespmem:$0x1B400] =	vst v63  }
0x1ba: {  	s19 =	simm.s32 $0x5400  }
0x1bb: {  	[tilespmem:s19], [sflag:$0x1] =	stream.indirect_vreg.gather [hbm4b:s5+s3], $0x80, v3, vm0, $0xb8;
	[tilespmem:$0x1B400] =	vst v63  }
0x1bc: {  	s19 =	simm.s32 $0x5C00  }
0x1bd: {  	[tilespmem:s19], [sflag:$0x1] =	stream.indirect_vreg.gather [hbm4b:s6+s3], $0x80, v3, vm0, $0xb8;
	[tilespmem:$0x1B400] =	vst v63  }
0x1be: {  	v3 =	vld [tilespmem:$0x220];
	_ =	sdelay $0x4  }
0x1bf: {  	v46 =	vshrl.u32 v3, $0x3  }
0x1c0: {  	v4 =	vmul.u32 $0x30, v46  }
0x1c1: {  	v3 =	vand.u32 $0x7, v3  }
0x1c2: {  	v3 =	vor.u32 v3, v4  }
0x1c3: {  	v4 =	vperm.xlane v3, v0;
	_ =	sdelay $0x1  }
0x1c4: {  	v4 =	vadd.s32 v1, v4;
	_ =	sdelay $0x3  }
0x1c5: {  	s19 =	simm.s32 $0x6400;
	v3 =	vperm.xlane v3, v2  }
0x1c6: {  	[tilespmem:s19], [sflag:$0x1] =	stream.indirect_vreg.gather [hbm4b:s2+s3], $0x80, v4, vm0, $0xb8;
	[tilespmem:$0x1B400] =	vst v63  }
0x1c7: {  	v3 =	vadd.s32 v1, v3  }
0x1c8: {  	[tilespmem:s30], [sflag:$0x1] =	stream.indirect_vreg.gather [hbm4b:s5+s3], $0x80, v4, vm0, $0xb8;
	[tilespmem:$0x1B400] =	vst v63  }
0x1c9: {  	_ = 	snop  }
0x1ca: {  	[tilespmem:s31], [sflag:$0x1] =	stream.indirect_vreg.gather [hbm4b:s6+s3], $0x80, v4, vm0, $0xb8;
	[tilespmem:$0x1B400] =	vst v63  }
0x1cb: {  	_ = 	snop  }
0x1cc: {  	[tilespmem:s14], [sflag:$0x1] =	stream.indirect_vreg.gather [hbm4b:s2+s3], $0x80, v3, vm0, $0xb8;
	[tilespmem:$0x1B400] =	vst v63  }
0x1cd: {  	_ = 	snop  }
0x1ce: {  	[tilespmem:s12], [sflag:$0x1] =	stream.indirect_vreg.gather [hbm4b:s5+s3], $0x80, v3, vm0, $0xb8;
	[tilespmem:$0x1B400] =	vst v63  }
0x1cf: {  	s19 =	simm.s32 $0x8C00  }
0x1d0: {  	[tilespmem:s19], [sflag:$0x1] =	stream.indirect_vreg.gather [hbm4b:s6+s3], $0x80, v3, vm0, $0xb8;
	[tilespmem:$0x1B400] =	vst v63  }
0x1d1: {  	v3 =	vld [tilespmem:$0x230];
	_ =	sdelay $0x4  }
0x1d2: {  	v47 =	vshrl.u32 v3, $0x3  }
0x1d3: {  	v4 =	vmul.u32 $0x30, v47  }
0x1d4: {  	v3 =	vand.u32 $0x7, v3  }
0x1d5: {  	v3 =	vor.u32 v3, v4  }
0x1d6: {  	v4 =	vperm.xlane v3, v0;
	_ =	sdelay $0x1  }
0x1d7: {  	v4 =	vadd.s32 v1, v4;
	_ =	sdelay $0x3  }
0x1d8: {  	s12 =	simm.s32 $0x9400;
	v3 =	vperm.xlane v3, v2  }
0x1d9: {  	[tilespmem:s12], [sflag:$0x1] =	stream.indirect_vreg.gather [hbm4b:s2+s3], $0x80, v4, vm0, $0xb8;
	[tilespmem:$0x1B400] =	vst v63  }
0x1da: {  	s19 =	simm.s32 $0x9C00;
	v3 =	vadd.s32 v1, v3  }
0x1db: {  	[tilespmem:s19], [sflag:$0x1] =	stream.indirect_vreg.gather [hbm4b:s5+s3], $0x80, v4, vm0, $0xb8;
	[tilespmem:$0x1B400] =	vst v63  }
0x1dc: {  	s12 =	simm.s32 $0xA400  }
0x1dd: {  	[tilespmem:s12], [sflag:$0x1] =	stream.indirect_vreg.gather [hbm4b:s6+s3], $0x80, v4, vm0, $0xb8;
	[tilespmem:$0x1B400] =	vst v63  }
0x1de: {  	s19 =	simm.s32 $0xAC00  }
0x1df: {  	[tilespmem:s19], [sflag:$0x1] =	stream.indirect_vreg.gather [hbm4b:s2+s3], $0x80, v3, vm0, $0xb8;
	[tilespmem:$0x1B400] =	vst v63  }
0x1e0: {  	s12 =	simm.s32 $0xB400  }
0x1e1: {  	[tilespmem:s12], [sflag:$0x1] =	stream.indirect_vreg.gather [hbm4b:s5+s3], $0x80, v3, vm0, $0xb8;
	[tilespmem:$0x1B400] =	vst v63  }
0x1e2: {  	s19 =	simm.s32 $0xBC00  }
0x1e3: {  	[tilespmem:s19], [sflag:$0x1] =	stream.indirect_vreg.gather [hbm4b:s6+s3], $0x80, v3, vm0, $0xb8;
	[tilespmem:$0x1B400] =	vst v63  }
0x1e4: {  	v3 =	vld.msk [tilespmem:$0x240], $0xff;
	_ =	sdelay $0x4  }
0x1e5: {  	v48 =	vshrl.u32 v3, $0x3  }
0x1e6: {  	v4 =	vmul.u32 $0x30, v48  }
0x1e7: {  	v3 =	vand.u32 $0x7, v3  }
0x1e8: {  	v3 =	vor.u32 v3, v4  }
0x1e9: {  	v3 =	vperm.xlane v3, v0;
	_ =	sdelay $0x1  }
0x1ea: {  	v3 =	vadd.s32 v1, v3;
	_ =	sdelay $0x3  }
0x1eb: {  	s12 =	simm.s32 $0xC400  }
0x1ec: {  	[tilespmem:s12], [sflag:$0x1] =	stream.indirect_vreg.gather [hbm4b:s2+s3], $0x80, v3, vm0, $0xb8;
	[tilespmem:$0x1B400] =	vst v63  }
0x1ed: {  	s19 =	simm.s32 $0xCC00  }
0x1ee: {  	[tilespmem:s19], [sflag:$0x1] =	stream.indirect_vreg.gather [hbm4b:s5+s3], $0x80, v3, vm0, $0xb8;
	[tilespmem:$0x1B400] =	vst v63  }
0x1ef: {  	s12 =	simm.s32 $0xD400  }
0x1f0: {  	[tilespmem:s12], [sflag:$0x1] =	stream.indirect_vreg.gather [hbm4b:s6+s3], $0x80, v3, vm0, $0xb8;
	[tilespmem:$0x1B400] =	vst v63  }
0x1f1: {  	s19 =	rddreg [dreg:$0x7];
	s12 =	simm.s32 $0xDC00  }
0x1f2: {  	[hbm4b:s19+s3] =	stream.linear.scatter [tilespmem:s12], [sflag:$0x4], $0xD800, $0x38;
	[tilespmem:$0x1B400] =	vst v63  }
0x1f3: {  	_ =	swait.ge [sflag:s11], $0xD800  }
0x1f4: {  	[sflag:s11] =	ssyncset.done $0x0  }
0x1f5: {  	[sflag:s11] =	ssyncadd.s32 $0xFFFF2800  }
0x1f6: {  	_ =	swait.ge [sflag:s18], $0xD800  }
0x1f7: {  	[sflag:s18] =	ssyncset.done $0x0  }
0x1f8: {  	[sflag:s18] =	ssyncadd.s32 $0xFFFF2800  }
0x1f9: {  	v3 =	vld [tilespmem:$0x280];
	_ =	sdelay $0x4  }
0x1fa: {  	v49 =	vshrl.u32 v3, $0x3  }
0x1fb: {  	v4 =	vmul.u32 $0x30, v49  }
0x1fc: {  	v3 =	vand.u32 $0x7, v3  }
0x1fd: {  	v3 =	vor.u32 v3, v4  }
0x1fe: {  	v4 =	vperm.xlane v3, v0;
	_ =	sdelay $0x1  }
0x1ff: {  	v4 =	vadd.s32 v1, v4;
	_ =	sdelay $0x3  }
0x200: {  	v3 =	vperm.xlane v3, v2  }
0x201: {  	[tilespmem:s12], [sflag:$0x2] =	stream.indirect_vreg.gather [hbm4b:s2+s3], $0x80, v4, vm0, $0xb8;
	[tilespmem:$0x1B400] =	vst v63  }
0x202: {  	s19 =	simm.s32 $0xE400;
	v3 =	vadd.s32 v1, v3  }
0x203: {  	[tilespmem:s19], [sflag:$0x2] =	stream.indirect_vreg.gather [hbm4b:s5+s3], $0x80, v4, vm0, $0xb8;
	[tilespmem:$0x1B400] =	vst v63  }
0x204: {  	_ = 	snop  }
0x205: {  	[tilespmem:s1], [sflag:$0x2] =	stream.indirect_vreg.gather [hbm4b:s6+s3], $0x80, v4, vm0, $0xb8;
	[tilespmem:$0x1B400] =	vst v63  }
0x206: {  	_ = 	snop  }
0x207: {  	[tilespmem:s4], [sflag:$0x2] =	stream.indirect_vreg.gather [hbm4b:s2+s3], $0x80, v3, vm0, $0xb8;
	[tilespmem:$0x1B400] =	vst v63  }
0x208: {  	_ = 	snop  }
0x209: {  	[tilespmem:s8], [sflag:$0x2] =	stream.indirect_vreg.gather [hbm4b:s5+s3], $0x80, v3, vm0, $0xb8;
	[tilespmem:$0x1B400] =	vst v63  }
0x20a: {  	s1 =	simm.s32 $0x10400  }
0x20b: {  	[tilespmem:s1], [sflag:$0x2] =	stream.indirect_vreg.gather [hbm4b:s6+s3], $0x80, v3, vm0, $0xb8;
	[tilespmem:$0x1B400] =	vst v63  }
0x20c: {  	v3 =	vld [tilespmem:$0x290];
	_ =	sdelay $0x4  }
0x20d: {  	v50 =	vshrl.u32 v3, $0x3  }
0x20e: {  	v4 =	vmul.u32 $0x30, v50  }
0x20f: {  	v3 =	vand.u32 $0x7, v3  }
0x210: {  	v3 =	vor.u32 v3, v4  }
0x211: {  	v4 =	vperm.xlane v3, v0;
	_ =	sdelay $0x1  }
0x212: {  	v4 =	vadd.s32 v1, v4;
	_ =	sdelay $0x3  }
0x213: {  	s19 =	simm.s32 $0x10C00;
	v3 =	vperm.xlane v3, v2  }
0x214: {  	[tilespmem:s19], [sflag:$0x2] =	stream.indirect_vreg.gather [hbm4b:s2+s3], $0x80, v4, vm0, $0xb8;
	[tilespmem:$0x1B400] =	vst v63  }
0x215: {  	v3 =	vadd.s32 v1, v3  }
0x216: {  	[tilespmem:s9], [sflag:$0x2] =	stream.indirect_vreg.gather [hbm4b:s5+s3], $0x80, v4, vm0, $0xb8;
	[tilespmem:$0x1B400] =	vst v63  }
0x217: {  	_ = 	snop  }
0x218: {  	[tilespmem:s10], [sflag:$0x2] =	stream.indirect_vreg.gather [hbm4b:s6+s3], $0x80, v4, vm0, $0xb8;
	[tilespmem:$0x1B400] =	vst v63  }
0x219: {  	_ = 	snop  }
0x21a: {  	[tilespmem:s13], [sflag:$0x2] =	stream.indirect_vreg.gather [hbm4b:s2+s3], $0x80, v3, vm0, $0xb8;
	[tilespmem:$0x1B400] =	vst v63  }
0x21b: {  	_ = 	snop  }
0x21c: {  	[tilespmem:s15], [sflag:$0x2] =	stream.indirect_vreg.gather [hbm4b:s5+s3], $0x80, v3, vm0, $0xb8;
	[tilespmem:$0x1B400] =	vst v63  }
0x21d: {  	s1 =	simm.s32 $0x13400  }
0x21e: {  	[tilespmem:s1], [sflag:$0x2] =	stream.indirect_vreg.gather [hbm4b:s6+s3], $0x80, v3, vm0, $0xb8;
	[tilespmem:$0x1B400] =	vst v63  }
0x21f: {  	v3 =	vld [tilespmem:$0x2A0];
	_ =	sdelay $0x4  }
0x220: {  	v51 =	vshrl.u32 v3, $0x3  }
0x221: {  	v4 =	vmul.u32 $0x30, v51  }
0x222: {  	v3 =	vand.u32 $0x7, v3  }
0x223: {  	v3 =	vor.u32 v3, v4  }
0x224: {  	v4 =	vperm.xlane v3, v0;
	_ =	sdelay $0x1  }
0x225: {  	v4 =	vadd.s32 v1, v4;
	_ =	sdelay $0x3  }
0x226: {  	s15 =	simm.s32 $0x13C00;
	v3 =	vperm.xlane v3, v2  }
0x227: {  	[tilespmem:s15], [sflag:$0x2] =	stream.indirect_vreg.gather [hbm4b:s2+s3], $0x80, v4, vm0, $0xb8;
	[tilespmem:$0x1B400] =	vst v63  }
0x228: {  	v3 =	vadd.s32 v1, v3  }
0x229: {  	[tilespmem:s20], [sflag:$0x2] =	stream.indirect_vreg.gather [hbm4b:s5+s3], $0x80, v4, vm0, $0xb8;
	[tilespmem:$0x1B400] =	vst v63  }
0x22a: {  	_ = 	snop  }
0x22b: {  	[tilespmem:s21], [sflag:$0x2] =	stream.indirect_vreg.gather [hbm4b:s6+s3], $0x80, v4, vm0, $0xb8;
	[tilespmem:$0x1B400] =	vst v63  }
0x22c: {  	_ = 	snop  }
0x22d: {  	[tilespmem:s22], [sflag:$0x2] =	stream.indirect_vreg.gather [hbm4b:s2+s3], $0x80, v3, vm0, $0xb8;
	[tilespmem:$0x1B400] =	vst v63  }
0x22e: {  	_ = 	snop  }
0x22f: {  	[tilespmem:s23], [sflag:$0x2] =	stream.indirect_vreg.gather [hbm4b:s5+s3], $0x80, v3, vm0, $0xb8;
	[tilespmem:$0x1B400] =	vst v63  }
0x230: {  	s19 =	simm.s32 $0x16400  }
0x231: {  	[tilespmem:s19], [sflag:$0x2] =	stream.indirect_vreg.gather [hbm4b:s6+s3], $0x80, v3, vm0, $0xb8;
	[tilespmem:$0x1B400] =	vst v63  }
0x232: {  	v3 =	vld [tilespmem:$0x2B0];
	_ =	sdelay $0x4  }
0x233: {  	v52 =	vshrl.u32 v3, $0x3  }
0x234: {  	v4 =	vmul.u32 $0x30, v52  }
0x235: {  	v3 =	vand.u32 $0x7, v3  }
0x236: {  	v3 =	vor.u32 v3, v4  }
0x237: {  	v4 =	vperm.xlane v3, v0;
	_ =	sdelay $0x1  }
0x238: {  	v4 =	vadd.s32 v1, v4;
	_ =	sdelay $0x3  }
0x239: {  	s23 =	simm.s32 $0x16C00;
	v3 =	vperm.xlane v3, v2  }
0x23a: {  	[tilespmem:s23], [sflag:$0x2] =	stream.indirect_vreg.gather [hbm4b:s2+s3], $0x80, v4, vm0, $0xb8;
	[tilespmem:$0x1B400] =	vst v63  }
0x23b: {  	v3 =	vadd.s32 v1, v3  }
0x23c: {  	[tilespmem:s24], [sflag:$0x2] =	stream.indirect_vreg.gather [hbm4b:s5+s3], $0x80, v4, vm0, $0xb8;
	[tilespmem:$0x1B400] =	vst v63  }
0x23d: {  	_ = 	snop  }
0x23e: {  	[tilespmem:s25], [sflag:$0x2] =	stream.indirect_vreg.gather [hbm4b:s6+s3], $0x80, v4, vm0, $0xb8;
	[tilespmem:$0x1B400] =	vst v63  }
0x23f: {  	_ = 	snop  }
0x240: {  	[tilespmem:s26], [sflag:$0x2] =	stream.indirect_vreg.gather [hbm4b:s2+s3], $0x80, v3, vm0, $0xb8;
	[tilespmem:$0x1B400] =	vst v63  }
0x241: {  	_ = 	snop  }
0x242: {  	[tilespmem:s28], [sflag:$0x2] =	stream.indirect_vreg.gather [hbm4b:s5+s3], $0x80, v3, vm0, $0xb8;
	[tilespmem:$0x1B400] =	vst v63  }
0x243: {  	s1 =	simm.s32 $0x19400  }
0x244: {  	[tilespmem:s1], [sflag:$0x2] =	stream.indirect_vreg.gather [hbm4b:s6+s3], $0x80, v3, vm0, $0xb8;
	[tilespmem:$0x1B400] =	vst v63  }
0x245: {  	v3 =	vld.msk [tilespmem:$0x2C0], $0xff;
	_ =	sdelay $0x4  }
0x246: {  	v53 =	vshrl.u32 v3, $0x3  }
0x247: {  	v4 =	vmul.u32 $0x30, v53  }
0x248: {  	v3 =	vand.u32 $0x7, v3  }
0x249: {  	v3 =	vor.u32 v3, v4  }
0x24a: {  	v3 =	vperm.xlane v3, v0;
	_ =	sdelay $0x1  }
0x24b: {  	v3 =	vadd.s32 v1, v3;
	_ =	sdelay $0x4  }
0x24c: {  	[tilespmem:s29], [sflag:$0x2] =	stream.indirect_vreg.gather [hbm4b:s2+s3], $0x80, v3, vm0, $0xb8;
	[tilespmem:$0x1B400] =	vst v63  }
0x24d: {  	s0 =	simm.s32 $0x1A400  }
0x24e: {  	[tilespmem:s0], [sflag:$0x2] =	stream.indirect_vreg.gather [hbm4b:s5+s3], $0x80, v3, vm0, $0xb8;
	[tilespmem:$0x1B400] =	vst v63  }
0x24f: {  	s29 =	simm.s32 $0x1AC00  }
0x250: {  	[tilespmem:s29], [sflag:$0x2] =	stream.indirect_vreg.gather [hbm4b:s6+s3], $0x80, v3, vm0, $0xb8;
	[tilespmem:$0x1B400] =	vst v63  }
0x251: {  	s19 =	rddreg [dreg:$0x8];
	s1 =	simm.s32 $0x400  }
0x252: {  	[hbm4b:s19+s3] =	stream.linear.scatter [tilespmem:s1], [sflag:$0x3], $0xD800, $0x38;
	[tilespmem:$0x1B400] =	vst v63  }
0x253: {  	_ =	swait.ge [sflag:s16], $0xD800  }
0x254: {  	[sflag:s16] =	ssyncset.done $0x0  }
0x255: {  	[sflag:s16] =	ssyncadd.s32 $0xFFFF2800  }
0x256: {  	_ =	swait.ge [sflag:s17], $0xD800  }
0x257: {  	[sflag:s17] =	ssyncset.done $0x0  }
0x258: {  	[sflag:s17] =	ssyncadd.s32 $0xFFFF2800  }
0x259: {  	v3 =	vld [tilespmem:$0x300];
	_ =	sdelay $0x4  }
0x25a: {  	v54 =	vshrl.u32 v3, $0x3  }
0x25b: {  	v4 =	vmul.u32 $0x30, v54  }
0x25c: {  	v3 =	vand.u32 $0x7, v3  }
0x25d: {  	v3 =	vor.u32 v3, v4  }
0x25e: {  	v4 =	vperm.xlane v3, v0;
	_ =	sdelay $0x1  }
0x25f: {  	v4 =	vadd.s32 v1, v4;
	_ =	sdelay $0x3  }
0x260: {  	v3 =	vperm.xlane v3, v2  }
0x261: {  	[tilespmem:s1], [sflag:$0x1] =	stream.indirect_vreg.gather [hbm4b:s2+s3], $0x80, v4, vm0, $0xb8;
	[tilespmem:$0x1B400] =	vst v63  }
0x262: {  	s19 =	simm.s32 $0xC00;
	v3 =	vadd.s32 v1, v3  }
0x263: {  	[tilespmem:s19], [sflag:$0x1] =	stream.indirect_vreg.gather [hbm4b:s5+s3], $0x80, v4, vm0, $0xb8;
	[tilespmem:$0x1B400] =	vst v63  }
0x264: {  	s19 =	simm.s32 $0x1400  }
0x265: {  	[tilespmem:s19], [sflag:$0x1] =	stream.indirect_vreg.gather [hbm4b:s6+s3], $0x80, v4, vm0, $0xb8;
	[tilespmem:$0x1B400] =	vst v63  }
0x266: {  	s19 =	simm.s32 $0x1C00  }
0x267: {  	[tilespmem:s19], [sflag:$0x1] =	stream.indirect_vreg.gather [hbm4b:s2+s3], $0x80, v3, vm0, $0xb8;
	[tilespmem:$0x1B400] =	vst v63  }
0x268: {  	s19 =	simm.s32 $0x2400  }
0x269: {  	[tilespmem:s19], [sflag:$0x1] =	stream.indirect_vreg.gather [hbm4b:s5+s3], $0x80, v3, vm0, $0xb8;
	[tilespmem:$0x1B400] =	vst v63  }
0x26a: {  	s19 =	simm.s32 $0x2C00  }
0x26b: {  	[tilespmem:s19], [sflag:$0x1] =	stream.indirect_vreg.gather [hbm4b:s6+s3], $0x80, v3, vm0, $0xb8;
	[tilespmem:$0x1B400] =	vst v63  }
0x26c: {  	v3 =	vld [tilespmem:$0x310];
	_ =	sdelay $0x4  }
0x26d: {  	v55 =	vshrl.u32 v3, $0x3  }
0x26e: {  	v4 =	vmul.u32 $0x30, v55  }
0x26f: {  	v3 =	vand.u32 $0x7, v3  }
0x270: {  	v3 =	vor.u32 v3, v4  }
0x271: {  	v4 =	vperm.xlane v3, v0;
	_ =	sdelay $0x1  }
0x272: {  	v4 =	vadd.s32 v1, v4;
	_ =	sdelay $0x3  }
0x273: {  	s19 =	simm.s32 $0x3400;
	v3 =	vperm.xlane v3, v2  }
0x274: {  	[tilespmem:s19], [sflag:$0x1] =	stream.indirect_vreg.gather [hbm4b:s2+s3], $0x80, v4, vm0, $0xb8;
	[tilespmem:$0x1B400] =	vst v63  }
0x275: {  	v3 =	vadd.s32 v1, v3;
	s19 =	simm.s32 $0x3C00  }
0x276: {  	[tilespmem:s19], [sflag:$0x1] =	stream.indirect_vreg.gather [hbm4b:s5+s3], $0x80, v4, vm0, $0xb8;
	[tilespmem:$0x1B400] =	vst v63  }
0x277: {  	s19 =	simm.s32 $0x4400  }
0x278: {  	[tilespmem:s19], [sflag:$0x1] =	stream.indirect_vreg.gather [hbm4b:s6+s3], $0x80, v4, vm0, $0xb8;
	[tilespmem:$0x1B400] =	vst v63  }
0x279: {  	s19 =	simm.s32 $0x4C00  }
0x27a: {  	[tilespmem:s19], [sflag:$0x1] =	stream.indirect_vreg.gather [hbm4b:s2+s3], $0x80, v3, vm0, $0xb8;
	[tilespmem:$0x1B400] =	vst v63  }
0x27b: {  	s19 =	simm.s32 $0x5400  }
0x27c: {  	[tilespmem:s19], [sflag:$0x1] =	stream.indirect_vreg.gather [hbm4b:s5+s3], $0x80, v3, vm0, $0xb8;
	[tilespmem:$0x1B400] =	vst v63  }
0x27d: {  	s19 =	simm.s32 $0x5C00  }
0x27e: {  	[tilespmem:s19], [sflag:$0x1] =	stream.indirect_vreg.gather [hbm4b:s6+s3], $0x80, v3, vm0, $0xb8;
	[tilespmem:$0x1B400] =	vst v63  }
0x27f: {  	v3 =	vld [tilespmem:$0x320];
	_ =	sdelay $0x4  }
0x280: {  	v56 =	vshrl.u32 v3, $0x3  }
0x281: {  	v4 =	vmul.u32 $0x30, v56  }
0x282: {  	v3 =	vand.u32 $0x7, v3  }
0x283: {  	v3 =	vor.u32 v3, v4  }
0x284: {  	v4 =	vperm.xlane v3, v0;
	_ =	sdelay $0x1  }
0x285: {  	v4 =	vadd.s32 v1, v4;
	_ =	sdelay $0x3  }
0x286: {  	s19 =	simm.s32 $0x6400;
	v3 =	vperm.xlane v3, v2  }
0x287: {  	[tilespmem:s19], [sflag:$0x1] =	stream.indirect_vreg.gather [hbm4b:s2+s3], $0x80, v4, vm0, $0xb8;
	[tilespmem:$0x1B400] =	vst v63  }
0x288: {  	s30 =	simm.s32 $0x6C00;
	v3 =	vadd.s32 v1, v3  }
0x289: {  	[tilespmem:s30], [sflag:$0x1] =	stream.indirect_vreg.gather [hbm4b:s5+s3], $0x80, v4, vm0, $0xb8;
	[tilespmem:$0x1B400] =	vst v63  }
0x28a: {  	s31 =	simm.s32 $0x7400  }
0x28b: {  	[tilespmem:s31], [sflag:$0x1] =	stream.indirect_vreg.gather [hbm4b:s6+s3], $0x80, v4, vm0, $0xb8;
	[tilespmem:$0x1B400] =	vst v63  }
0x28c: {  	s14 =	simm.s32 $0x7C00  }
0x28d: {  	[tilespmem:s14], [sflag:$0x1] =	stream.indirect_vreg.gather [hbm4b:s2+s3], $0x80, v3, vm0, $0xb8;
	[tilespmem:$0x1B400] =	vst v63  }
0x28e: {  	s19 =	simm.s32 $0x8400  }
0x28f: {  	[tilespmem:s19], [sflag:$0x1] =	stream.indirect_vreg.gather [hbm4b:s5+s3], $0x80, v3, vm0, $0xb8;
	[tilespmem:$0x1B400] =	vst v63  }
0x290: {  	s30 =	simm.s32 $0x8C00  }
0x291: {  	[tilespmem:s30], [sflag:$0x1] =	stream.indirect_vreg.gather [hbm4b:s6+s3], $0x80, v3, vm0, $0xb8;
	[tilespmem:$0x1B400] =	vst v63  }
0x292: {  	v3 =	vld [tilespmem:$0x330];
	_ =	sdelay $0x4  }
0x293: {  	v57 =	vshrl.u32 v3, $0x3  }
0x294: {  	v4 =	vmul.u32 $0x30, v57  }
0x295: {  	v3 =	vand.u32 $0x7, v3  }
0x296: {  	v3 =	vor.u32 v3, v4  }
0x297: {  	v4 =	vperm.xlane v3, v0;
	_ =	sdelay $0x1  }
0x298: {  	v4 =	vadd.s32 v1, v4;
	_ =	sdelay $0x3  }
0x299: {  	s31 =	simm.s32 $0x9400;
	v3 =	vperm.xlane v3, v2  }
0x29a: {  	[tilespmem:s31], [sflag:$0x1] =	stream.indirect_vreg.gather [hbm4b:s2+s3], $0x80, v4, vm0, $0xb8;
	[tilespmem:$0x1B400] =	vst v63  }
0x29b: {  	s19 =	simm.s32 $0x9C00;
	v3 =	vadd.s32 v1, v3  }
0x29c: {  	[tilespmem:s19], [sflag:$0x1] =	stream.indirect_vreg.gather [hbm4b:s5+s3], $0x80, v4, vm0, $0xb8;
	[tilespmem:$0x1B400] =	vst v63  }
0x29d: {  	s30 =	simm.s32 $0xA400  }
0x29e: {  	[tilespmem:s30], [sflag:$0x1] =	stream.indirect_vreg.gather [hbm4b:s6+s3], $0x80, v4, vm0, $0xb8;
	[tilespmem:$0x1B400] =	vst v63  }
0x29f: {  	s31 =	simm.s32 $0xAC00  }
0x2a0: {  	[tilespmem:s31], [sflag:$0x1] =	stream.indirect_vreg.gather [hbm4b:s2+s3], $0x80, v3, vm0, $0xb8;
	[tilespmem:$0x1B400] =	vst v63  }
0x2a1: {  	s19 =	simm.s32 $0xB400  }
0x2a2: {  	[tilespmem:s19], [sflag:$0x1] =	stream.indirect_vreg.gather [hbm4b:s5+s3], $0x80, v3, vm0, $0xb8;
	[tilespmem:$0x1B400] =	vst v63  }
0x2a3: {  	s30 =	simm.s32 $0xBC00  }
0x2a4: {  	[tilespmem:s30], [sflag:$0x1] =	stream.indirect_vreg.gather [hbm4b:s6+s3], $0x80, v3, vm0, $0xb8;
	[tilespmem:$0x1B400] =	vst v63  }
0x2a5: {  	v3 =	vld.msk [tilespmem:$0x340], $0xff;
	_ =	sdelay $0x4  }
0x2a6: {  	v58 =	vshrl.u32 v3, $0x3  }
0x2a7: {  	v4 =	vmul.u32 $0x30, v58  }
0x2a8: {  	v3 =	vand.u32 $0x7, v3  }
0x2a9: {  	v3 =	vor.u32 v3, v4  }
0x2aa: {  	v3 =	vperm.xlane v3, v0;
	_ =	sdelay $0x1  }
0x2ab: {  	v3 =	vadd.s32 v1, v3;
	_ =	sdelay $0x3  }
0x2ac: {  	s31 =	simm.s32 $0xC400  }
0x2ad: {  	[tilespmem:s31], [sflag:$0x1] =	stream.indirect_vreg.gather [hbm4b:s2+s3], $0x80, v3, vm0, $0xb8;
	[tilespmem:$0x1B400] =	vst v63  }
0x2ae: {  	s19 =	simm.s32 $0xCC00  }
0x2af: {  	[tilespmem:s19], [sflag:$0x1] =	stream.indirect_vreg.gather [hbm4b:s5+s3], $0x80, v3, vm0, $0xb8;
	[tilespmem:$0x1B400] =	vst v63  }
0x2b0: {  	s31 =	simm.s32 $0xD400  }
0x2b1: {  	[tilespmem:s31], [sflag:$0x1] =	stream.indirect_vreg.gather [hbm4b:s6+s3], $0x80, v3, vm0, $0xb8;
	[tilespmem:$0x1B400] =	vst v63  }
0x2b2: {  	s12 =	simm.s32 $0xDC00;
	s30 =	rddreg [dreg:$0x9]  }
0x2b3: {  	[hbm4b:s30+s3] =	stream.linear.scatter [tilespmem:s12], [sflag:$0x4], $0xD800, $0x38;
	[tilespmem:$0x1B400] =	vst v63  }
0x2b4: {  	_ =	swait.ge [sflag:s11], $0xD800  }
0x2b5: {  	[sflag:s11] =	ssyncset.done $0x0  }
0x2b6: {  	[sflag:s11] =	ssyncadd.s32 $0xFFFF2800  }
0x2b7: {  	_ =	swait.ge [sflag:s18], $0xD800  }
0x2b8: {  	[sflag:s18] =	ssyncset.done $0x0  }
0x2b9: {  	[sflag:s18] =	ssyncadd.s32 $0xFFFF2800  }
0x2ba: {  	v3 =	vld [tilespmem:$0x380];
	_ =	sdelay $0x4  }
0x2bb: {  	v59 =	vshrl.u32 v3, $0x3  }
0x2bc: {  	v4 =	vmul.u32 $0x30, v59  }
0x2bd: {  	v3 =	vand.u32 $0x7, v3  }
0x2be: {  	v3 =	vor.u32 v3, v4  }
0x2bf: {  	v4 =	vperm.xlane v3, v0;
	_ =	sdelay $0x1  }
0x2c0: {  	v4 =	vadd.s32 v1, v4;
	_ =	sdelay $0x3  }
0x2c1: {  	v3 =	vperm.xlane v3, v2  }
0x2c2: {  	[tilespmem:s12], [sflag:$0x2] =	stream.indirect_vreg.gather [hbm4b:s2+s3], $0x80, v4, vm0, $0xb8;
	[tilespmem:$0x1B400] =	vst v63  }
0x2c3: {  	s19 =	simm.s32 $0xE400;
	v3 =	vadd.s32 v1, v3  }
0x2c4: {  	[tilespmem:s19], [sflag:$0x2] =	stream.indirect_vreg.gather [hbm4b:s5+s3], $0x80, v4, vm0, $0xb8;
	[tilespmem:$0x1B400] =	vst v63  }
0x2c5: {  	s30 =	simm.s32 $0xEC00  }
0x2c6: {  	[tilespmem:s30], [sflag:$0x2] =	stream.indirect_vreg.gather [hbm4b:s6+s3], $0x80, v4, vm0, $0xb8;
	[tilespmem:$0x1B400] =	vst v63  }
0x2c7: {  	s4 =	simm.s32 $0xF400  }
0x2c8: {  	[tilespmem:s4], [sflag:$0x2] =	stream.indirect_vreg.gather [hbm4b:s2+s3], $0x80, v3, vm0, $0xb8;
	[tilespmem:$0x1B400] =	vst v63  }
0x2c9: {  	s8 =	simm.s32 $0xFC00  }
0x2ca: {  	[tilespmem:s8], [sflag:$0x2] =	stream.indirect_vreg.gather [hbm4b:s5+s3], $0x80, v3, vm0, $0xb8;
	[tilespmem:$0x1B400] =	vst v63  }
0x2cb: {  	s31 =	simm.s32 $0x10400  }
0x2cc: {  	[tilespmem:s31], [sflag:$0x2] =	stream.indirect_vreg.gather [hbm4b:s6+s3], $0x80, v3, vm0, $0xb8;
	[tilespmem:$0x1B400] =	vst v63  }
0x2cd: {  	v3 =	vld [tilespmem:$0x390];
	_ =	sdelay $0x4  }
0x2ce: {  	v60 =	vshrl.u32 v3, $0x3  }
0x2cf: {  	v4 =	vmul.u32 $0x30, v60  }
0x2d0: {  	v3 =	vand.u32 $0x7, v3  }
0x2d1: {  	v3 =	vor.u32 v3, v4  }
0x2d2: {  	v4 =	vperm.xlane v3, v0;
	_ =	sdelay $0x1  }
0x2d3: {  	v4 =	vadd.s32 v1, v4;
	_ =	sdelay $0x3  }
0x2d4: {  	s8 =	simm.s32 $0x10C00;
	v3 =	vperm.xlane v3, v2  }
0x2d5: {  	[tilespmem:s8], [sflag:$0x2] =	stream.indirect_vreg.gather [hbm4b:s2+s3], $0x80, v4, vm0, $0xb8;
	[tilespmem:$0x1B400] =	vst v63  }
0x2d6: {  	s9 =	simm.s32 $0x11400;
	v3 =	vadd.s32 v1, v3  }
0x2d7: {  	[tilespmem:s9], [sflag:$0x2] =	stream.indirect_vreg.gather [hbm4b:s5+s3], $0x80, v4, vm0, $0xb8;
	[tilespmem:$0x1B400] =	vst v63  }
0x2d8: {  	s10 =	simm.s32 $0x11C00  }
0x2d9: {  	[tilespmem:s10], [sflag:$0x2] =	stream.indirect_vreg.gather [hbm4b:s6+s3], $0x80, v4, vm0, $0xb8;
	[tilespmem:$0x1B400] =	vst v63  }
0x2da: {  	s13 =	simm.s32 $0x12400  }
0x2db: {  	[tilespmem:s13], [sflag:$0x2] =	stream.indirect_vreg.gather [hbm4b:s2+s3], $0x80, v3, vm0, $0xb8;
	[tilespmem:$0x1B400] =	vst v63  }
0x2dc: {  	s13 =	simm.s32 $0x12C00  }
0x2dd: {  	[tilespmem:s13], [sflag:$0x2] =	stream.indirect_vreg.gather [hbm4b:s5+s3], $0x80, v3, vm0, $0xb8;
	[tilespmem:$0x1B400] =	vst v63  }
0x2de: {  	s14 =	simm.s32 $0x13400  }
0x2df: {  	[tilespmem:s14], [sflag:$0x2] =	stream.indirect_vreg.gather [hbm4b:s6+s3], $0x80, v3, vm0, $0xb8;
	[tilespmem:$0x1B400] =	vst v63  }
0x2e0: {  	v3 =	vld [tilespmem:$0x3A0];
	_ =	sdelay $0x4  }
0x2e1: {  	v61 =	vshrl.u32 v3, $0x3  }
0x2e2: {  	v4 =	vmul.u32 $0x30, v61  }
0x2e3: {  	v3 =	vand.u32 $0x7, v3  }
0x2e4: {  	v3 =	vor.u32 v3, v4  }
0x2e5: {  	v4 =	vperm.xlane v3, v0;
	_ =	sdelay $0x1  }
0x2e6: {  	v4 =	vadd.s32 v1, v4;
	_ =	sdelay $0x3  }
0x2e7: {  	s19 =	simm.s32 $0x13C00;
	v3 =	vperm.xlane v3, v2  }
0x2e8: {  	[tilespmem:s19], [sflag:$0x2] =	stream.indirect_vreg.gather [hbm4b:s2+s3], $0x80, v4, vm0, $0xb8;
	[tilespmem:$0x1B400] =	vst v63  }
0x2e9: {  	s15 =	simm.s32 $0x14400;
	v3 =	vadd.s32 v1, v3  }
0x2ea: {  	[tilespmem:s15], [sflag:$0x2] =	stream.indirect_vreg.gather [hbm4b:s5+s3], $0x80, v4, vm0, $0xb8;
	[tilespmem:$0x1B400] =	vst v63  }
0x2eb: {  	s20 =	simm.s32 $0x14C00  }
0x2ec: {  	[tilespmem:s20], [sflag:$0x2] =	stream.indirect_vreg.gather [hbm4b:s6+s3], $0x80, v4, vm0, $0xb8;
	[tilespmem:$0x1B400] =	vst v63  }
0x2ed: {  	s21 =	simm.s32 $0x15400  }
0x2ee: {  	[tilespmem:s21], [sflag:$0x2] =	stream.indirect_vreg.gather [hbm4b:s2+s3], $0x80, v3, vm0, $0xb8;
	[tilespmem:$0x1B400] =	vst v63  }
0x2ef: {  	s22 =	simm.s32 $0x15C00  }
0x2f0: {  	[tilespmem:s22], [sflag:$0x2] =	stream.indirect_vreg.gather [hbm4b:s5+s3], $0x80, v3, vm0, $0xb8;
	[tilespmem:$0x1B400] =	vst v63  }
0x2f1: {  	s21 =	simm.s32 $0x16400  }
0x2f2: {  	[tilespmem:s21], [sflag:$0x2] =	stream.indirect_vreg.gather [hbm4b:s6+s3], $0x80, v3, vm0, $0xb8;
	[tilespmem:$0x1B400] =	vst v63  }
0x2f3: {  	v3 =	vld [tilespmem:$0x3B0];
	_ =	sdelay $0x4  }
0x2f4: {  	v62 =	vshrl.u32 v3, $0x3  }
0x2f5: {  	v4 =	vmul.u32 $0x30, v62  }
0x2f6: {  	v3 =	vand.u32 $0x7, v3  }
0x2f7: {  	v3 =	vor.u32 v3, v4  }
0x2f8: {  	v4 =	vperm.xlane v3, v0;
	_ =	sdelay $0x1  }
0x2f9: {  	v4 =	vadd.s32 v1, v4;
	_ =	sdelay $0x3  }
0x2fa: {  	s22 =	simm.s32 $0x16C00;
	v3 =	vperm.xlane v3, v2  }
0x2fb: {  	[tilespmem:s22], [sflag:$0x2] =	stream.indirect_vreg.gather [hbm4b:s2+s3], $0x80, v4, vm0, $0xb8;
	[tilespmem:$0x1B400] =	vst v63  }
0x2fc: {  	s23 =	simm.s32 $0x17400;
	v3 =	vadd.s32 v1, v3  }
0x2fd: {  	[tilespmem:s23], [sflag:$0x2] =	stream.indirect_vreg.gather [hbm4b:s5+s3], $0x80, v4, vm0, $0xb8;
	[tilespmem:$0x1B400] =	vst v63  }
0x2fe: {  	s24 =	simm.s32 $0x17C00  }
0x2ff: {  	[tilespmem:s24], [sflag:$0x2] =	stream.indirect_vreg.gather [hbm4b:s6+s3], $0x80, v4, vm0, $0xb8;
	[tilespmem:$0x1B400] =	vst v63  }
0x300: {  	s25 =	simm.s32 $0x18400  }
0x301: {  	[tilespmem:s25], [sflag:$0x2] =	stream.indirect_vreg.gather [hbm4b:s2+s3], $0x80, v3, vm0, $0xb8;
	[tilespmem:$0x1B400] =	vst v63  }
0x302: {  	s26 =	simm.s32 $0x18C00  }
0x303: {  	[tilespmem:s26], [sflag:$0x2] =	stream.indirect_vreg.gather [hbm4b:s5+s3], $0x80, v3, vm0, $0xb8;
	[tilespmem:$0x1B400] =	vst v63  }
0x304: {  	s26 =	simm.s32 $0x19400  }
0x305: {  	[tilespmem:s26], [sflag:$0x2] =	stream.indirect_vreg.gather [hbm4b:s6+s3], $0x80, v3, vm0, $0xb8;
	[tilespmem:$0x1B400] =	vst v63  }
0x306: {  	v3 =	vld.msk [tilespmem:$0x3C0], $0xff;
	_ =	sdelay $0x4  }
0x307: {  	v63 =	vshrl.u32 v3, $0x3  }
0x308: {  	v4 =	vmul.u32 $0x30, v63  }
0x309: {  	v3 =	vand.u32 $0x7, v3  }
0x30a: {  	v3 =	vor.u32 v3, v4  }
0x30b: {  	v3 =	vperm.xlane v3, v0;
	_ =	sdelay $0x1  }
0x30c: {  	v3 =	vadd.s32 v1, v3;
	_ =	sdelay $0x3  }
0x30d: {  	s28 =	simm.s32 $0x19C00  }
0x30e: {  	[tilespmem:s28], [sflag:$0x2] =	stream.indirect_vreg.gather [hbm4b:s2+s3], $0x80, v3, vm0, $0xb8;
	[tilespmem:$0x1B400] =	vst v63  }
0x30f: {  	_ = 	snop  }
0x310: {  	[tilespmem:s0], [sflag:$0x2] =	stream.indirect_vreg.gather [hbm4b:s5+s3], $0x80, v3, vm0, $0xb8;
	[tilespmem:$0x1B400] =	vst v63  }
0x311: {  	_ = 	snop  }
0x312: {  	[tilespmem:s29], [sflag:$0x2] =	stream.indirect_vreg.gather [hbm4b:s6+s3], $0x80, v3, vm0, $0xb8;
	[tilespmem:$0x1B400] =	vst v63  }
0x313: {  	s1 =	simm.s32 $0x400;
	s30 =	rddreg [dreg:$0xa]  }
0x314: {  	[hbm4b:s30+s3] =	stream.linear.scatter [tilespmem:s1], [sflag:$0x3], $0xD800, $0x38;
	[tilespmem:$0x1B400] =	vst v63  }
0x315: {  	_ =	swait.ge [sflag:s16], $0xD800  }
0x316: {  	[sflag:s16] =	ssyncset.done $0x0  }
0x317: {  	s31 =	rddreg [dreg:$0xb];
	[sflag:s16] =	ssyncadd.s32 $0xFFFF2800  }
0x318: {  	[hbm4b:s31+s3] =	stream.linear.scatter [tilespmem:s12], [sflag:$0x4], $0xD800, $0x38;
	[tilespmem:$0x1B400] =	vst v63  }
0x319: {  	p0 =	sne.s32 s7, $0x1;
	_ =	swait.ge [sflag:s17], $0xD800  }
.Ltmp0:
0x31a: {  	[sflag:s17] =	ssyncset.done $0x0;
	(pc) =	sbr.rel @p0 .LBB2_1-.Ltmp0, $4  }
0x31b: {  	[sflag:s17] =	ssyncadd.s32 $0xFFFF2800  }
0x31c: {  	_ =	swait.ge [sflag:s18], $0xD800  }
0x31d: {  	[sflag:s18] =	ssyncset.done $0x0  }
0x31e: {  	s7 =	sadd.s32 $0xFFFFFFFF, s7;
	[sflag:s18] =	ssyncadd.s32 $0xFFFF2800  }
0x31f: {  	_ =	sfence.sel $0x180000  }
0x320: {  	[bflag:$0x0] =	sbarrier.arrive $0xFFFF  }
0x321: {  	_ =	strace $0x90000047  }
0x322: {  	s0 =	stileid.u32;
	[bflag:$0x2] =	sbarrier.arrive $0xFFFF  }
0x323: {  	p0 =	sne.s32 s0, $0x0;
	s0 =	rddreg [dreg:$0x3]  }
0x324: {  	s0 =	sadd.s32 @!p0 $0x100000, s0  }
0x325: {  	[sflag:s0] =	ssyncadd.tile.s32 @!p0 $0x1;
	_ =	shalt  }
.Lfunc_end2:
_tile_overlayer_lowered:
.L_overlay_start_2:
0x326: {  	(tag) =	ssettag $0x2  }
0x327: {  	s0 =	rddreg [dreg:$0x0];
	s2 =	stileid.u32  }
0x328: {  	s1 =	rddreg [dreg:$0x1];
	p0 =	sne.s32 s2, $0x0  }
0x329: {  	s3 =	rddreg [dreg:$0x2];
	[bflag:$0x3] =	sbarrier.arrive $0xFFFF;
	s2 =	simm.s32 @!p0 $0x1C05  }
0x32a: {  	[timem:s3], [sflag:s2] =	dma.local @!p0 [hbm:s0], s1  }
0x32b: {  	s0 =	simm.s32 @!p0 $0x5  }
0x32c: {  	_ =	swait.ge @!p0 [sflag:s0], s1  }
0x32d: {  	s1 =	ssub.s32 @!p0 $0x0, s1;
	[sflag:s0] =	ssyncset.done @!p0 $0x0  }
0x32e: {  	[sflag:s0] =	ssyncadd.s32 @!p0 s1  }
0x32f: {  	[bflag:$0x3] =	sbarrier.arrive $0xFFFF  }
0x330: {  	_ =	shalt  }

</sc_bundles>
